<compile_context>
chip_gen: v7x
topology: tpu7x:2x2x1
jax: 0.10.2.dev20260603
libtpu: 0.0.44.dev20260713+nightly
codegen_flags: <defaults>
</compile_context>

<pallas_src>
import functools

import jax
import jax.numpy as jnp
from jax import lax
from jax.experimental import pallas as pl
from jax.experimental.pallas import tpu as pltpu
from jax.experimental.pallas import tpu_sc as plsc

N = 10647
NOUT = 85
G = 32
NW = 16
CH = 672
NPAD = NW * CH
PV = CH // 16
POS_IOU = 0.7
NEG_IOU = 0.3
N_SAMPLE = 256.0
N_POS_CAP = 128.0


def _sc_match(pri, gtb, gtg):
    mesh = plsc.VectorSubcoreMesh(core_axis_name="c", subcore_axis_name="s",
                                  num_cores=1, num_subcores=NW)

    @functools.partial(
        pl.kernel,
        out_type=jax.ShapeDtypeStruct((NPAD * 8,), jnp.float32),
        mesh=mesh,
        compiler_params=pltpu.CompilerParams(needs_layout_passes=False),
        scratch_types=dict(
            priv=pltpu.VMEM((4, CH), jnp.float32),
            crn=pltpu.VMEM((5, CH), jnp.float32),
            gtbv=pltpu.VMEM((5, G, 16), jnp.float32),
            gtgv=pltpu.VMEM((8, G), jnp.float32),
            pmaxv=pltpu.VMEM((CH,), jnp.float32),
            pidxv=pltpu.VMEM((CH,), jnp.int32),
            labv=pltpu.VMEM((CH,), jnp.float32),
            gmaxv=pltpu.VMEM((G, 16), jnp.float32),
            gidxv=pltpu.VMEM((G, 16), jnp.int32),
            locv=pltpu.VMEM((80,), jnp.float32),
            allv=pltpu.VMEM((NW, 80), jnp.float32),
            loc2=pltpu.VMEM((16,), jnp.int32),
            all2=pltpu.VMEM((NW, 16), jnp.int32),
            outv=pltpu.VMEM((CH * 8,), jnp.float32),
            sh1=pltpu.VMEM_SHARED((NW, 80), jnp.float32),
            sh2=pltpu.VMEM_SHARED((NW, 16), jnp.int32),
        ),
    )
    def k(pri_hbm, gtb_hbm, gtg_hbm, out_hbm, *, priv, crn, gtbv, gtgv, pmaxv,
          pidxv, labv, gmaxv, gidxv, locv, allv, loc2, all2, outv, sh1, sh2):
        w = lax.axis_index("s")
        base = w * CH
        lane = lax.iota(jnp.int32, 16)
        ones = jnp.full((16,), 1.0, jnp.float32)

        pltpu.sync_copy(pri_hbm.at[w], priv)
        pltpu.sync_copy(gtb_hbm, gtbv)
        pltpu.sync_copy(gtg_hbm, gtgv)

        def p1a(i, _):
            sl = pl.ds(i * 16, 16)
            cx = priv[0, sl]
            cy = priv[1, sl]
            ww = priv[2, sl]
            hh = priv[3, sl]
            ax1 = cx - ww / 2.0
            ay1 = cy - hh / 2.0
            ax2 = cx + ww / 2.0
            ay2 = cy + hh / 2.0
            crn[0, sl] = ax1
            crn[1, sl] = ay1
            crn[2, sl] = ax2
            crn[3, sl] = ay2
            crn[4, sl] = (ax2 - ax1) * (ay2 - ay1)
            pmaxv[sl] = jnp.full((16,), -1.0, jnp.float32)
            pidxv[sl] = jnp.zeros((16,), jnp.int32)
            return 0
        lax.fori_loop(0, PV, p1a, 0)

        JB = 4
        def p1b(jb, _):
            j0 = jb * JB
            gt = [[gtbv[kf, j0 + u] for kf in range(5)] for u in range(JB)]

            def strip(i, c):
                sl = pl.ds(i * 16, 16)
                ax1 = crn[0, sl]
                ay1 = crn[1, sl]
                ax2 = crn[2, sl]
                ay2 = crn[3, sl]
                area_a = crn[4, sl]
                pmax = pmaxv[sl]
                pidx = pidxv[sl]
                gl = base + i * 16 + lane
                gms, gis = list(c[0]), list(c[1])
                for u in range(JB):
                    bx1, by1, bx2, by2, ab = gt[u]
                    iw = jnp.maximum(
                        jnp.minimum(ax2, bx2) - jnp.maximum(ax1, bx1), 0.0)
                    ih = jnp.maximum(
                        jnp.minimum(ay2, by2) - jnp.maximum(ay1, by1), 0.0)
                    inter = iw * ih
                    iou = inter / (area_a + ab - inter)
                    upd = iou > pmax
                    pmax = jnp.where(upd, iou, pmax)
                    pidx = jnp.where(upd, j0 + u, pidx)
                    gu = iou > gms[u]
                    gms[u] = jnp.where(gu, iou, gms[u])
                    gis[u] = jnp.where(gu, gl, gis[u])
                pmaxv[sl] = pmax
                pidxv[sl] = pidx
                return tuple(gms), tuple(gis)

            gm0 = tuple(jnp.full((16,), -1.0, jnp.float32) for _ in range(JB))
            gi0 = tuple(jnp.zeros((16,), jnp.int32) for _ in range(JB))
            gms, gis = lax.fori_loop(0, PV, strip, (gm0, gi0))
            for u in range(JB):
                gmaxv[j0 + u] = gms[u]
                gidxv[j0 + u] = gis[u]
            return 0
        lax.fori_loop(0, G // JB, p1b, 0)

        def p1c(i, _):
            sl = pl.ds(i * 16, 16)
            pmax = pmaxv[sl]
            valid = (base + i * 16 + lane) < N
            lab = jnp.where(pmax < NEG_IOU, 0.0,
                            jnp.where(pmax >= POS_IOU, 1.0, -1.0))
            labv[sl] = jnp.where(valid, lab, -1.0)
            return 0
        lax.fori_loop(0, PV, p1c, 0)

        def p2a(j, c):
            va, vb, ja, jb_ = c
            gm = gmaxv[j]
            gi = gidxv[j]
            m = jnp.max(gm)
            mi = jnp.min(jnp.where(gm == m, gi, jnp.int32(2 ** 30)))
            mf = mi.astype(jnp.float32)
            va = va + jnp.where(lane == j, m, 0.0)
            vb = vb + jnp.where(lane == j - 16, m, 0.0)
            ja = ja + jnp.where(lane == j, mf, 0.0)
            jb_ = jb_ + jnp.where(lane == j - 16, mf, 0.0)
            return va, vb, ja, jb_
        zf = jnp.zeros((16,), jnp.float32)
        va, vb, ja_, jb_ = lax.fori_loop(0, G, p2a, (zf, zf, zf, zf))
        locv[pl.ds(0, 16)] = va
        locv[pl.ds(16, 16)] = vb
        locv[pl.ds(32, 16)] = ja_
        locv[pl.ds(48, 16)] = jb_

        pltpu.sync_copy(locv, sh1.at[w])
        plsc.subcore_barrier()
        pltpu.sync_copy(sh1, allv)

        def p2b(wp, c):
            va, vb, ia, ib = c
            v1 = allv[wp, pl.ds(0, 16)]
            v2 = allv[wp, pl.ds(16, 16)]
            i1 = allv[wp, pl.ds(32, 16)]
            i2 = allv[wp, pl.ds(48, 16)]
            u1 = v1 > va
            u2 = v2 > vb
            return (jnp.where(u1, v1, va), jnp.where(u2, v2, vb),
                    jnp.where(u1, i1, ia), jnp.where(u2, i2, ib))
        neg2 = jnp.full((16,), -2.0, jnp.float32)
        _, _, ia, ib = lax.fori_loop(0, NW, p2b, (neg2, neg2, zf, zf))

        for bi in (ia, ib):
            gidx = bi.astype(jnp.int32) - base
            inr = (gidx >= 0) & (gidx < CH)
            gidx_c = jnp.where(inr, gidx, 0)
            pmv = plsc.load_gather(pmaxv, [gidx_c], mask=inr)
            cond = inr & (pmv >= NEG_IOU)
            plsc.store_scatter(labv, [gidx_c], ones, mask=cond)

        zi = jnp.zeros((16,), jnp.int32)
        def cnt(i, c):
            pc, nc = c
            l = labv[pl.ds(i * 16, 16)]
            pc = pc + jnp.where(l == 1.0, 1, 0)
            nc = nc + jnp.where(l == 0.0, 1, 0)
            return pc, nc
        pc, nc = lax.fori_loop(0, PV, cnt, (zi, zi))
        combo = (jnp.sum(pc) << 16) | jnp.sum(nc)
        loc2[...] = jnp.where(lane == 0, combo, 0)
        pltpu.sync_copy(loc2, sh2.at[w])
        plsc.subcore_barrier()
        pltpu.sync_copy(sh2, all2)

        def p2c(wp, c):
            tot, pre = c
            v = all2[wp]
            return tot + v, pre + v * jnp.where(wp < w, 1, 0)
        tot, pre = lax.fori_loop(0, NW, p2c, (zi, zi))
        lane0 = lane == 0
        tot_c = jnp.sum(jnp.where(lane0, tot, 0))
        pre_c = jnp.sum(jnp.where(lane0, pre, 0))
        p_tot = (tot_c >> 16).astype(jnp.float32)
        n_tot = (tot_c & 0xFFFF).astype(jnp.float32)
        p_pre = (pre_c >> 16).astype(jnp.float32)
        n_pre = (pre_c & 0xFFFF).astype(jnp.float32)
        excess_pos = p_tot - N_POS_CAP
        n_pos_final = p_tot - jnp.maximum(0.0, excess_pos)
        excess_neg = n_tot - (N_SAMPLE - n_pos_final)

        def p3(i, c):
            cpos, cneg = c
            sl = pl.ds(i * 16, 16)
            l = labv[sl]
            posf = jnp.where(l == 1.0, 1.0, 0.0)
            negf = jnp.where(l == 0.0, 1.0, 0.0)
            epp = plsc.cumsum(posf) - posf + cpos
            epn = plsc.cumsum(negf) - negf + cneg
            objf = jnp.where((posf > 0.0) & (epp >= excess_pos), 1.0, 0.0)
            nonf = jnp.where((negf > 0.0) & (epn >= excess_neg), 1.0, 0.0)
            pidx = pidxv[sl]
            t0 = plsc.load_gather(gtgv, [jnp.zeros((16,), jnp.int32), pidx])
            t1 = plsc.load_gather(gtgv, [jnp.full((16,), 1, jnp.int32), pidx])
            t2 = plsc.load_gather(gtgv, [jnp.full((16,), 2, jnp.int32), pidx])
            t3 = plsc.load_gather(gtgv, [jnp.full((16,), 3, jnp.int32), pidx])
            cf = plsc.load_gather(gtgv, [jnp.full((16,), 4, jnp.int32), pidx])
            li8 = (i * 16 + lane) * 8
            plsc.store_scatter(outv, [li8], objf)
            plsc.store_scatter(outv, [li8 + 1], nonf)
            plsc.store_scatter(outv, [li8 + 2], t0)
            plsc.store_scatter(outv, [li8 + 3], t1)
            plsc.store_scatter(outv, [li8 + 4], t2)
            plsc.store_scatter(outv, [li8 + 5], t3)
            plsc.store_scatter(outv, [li8 + 6], cf)
            plsc.store_scatter(outv, [li8 + 7], zf)
            return cpos + jnp.sum(posf), cneg + jnp.sum(negf)
        lax.fori_loop(0, PV, p3, (p_pre, n_pre))

        pltpu.sync_copy(outv, out_hbm.at[pl.ds(base * 8, CH * 8)])

    return k(pri, gtb, gtg)


def _tc_body(pred_ref, aux_ref, copy_ref, out_ref, acc):
    step = pl.program_id(0)

    @pl.when(step == 0)
    def _():
        for t in range(6):
            acc[t] = 0.0

    rblk = pred_ref.shape[0]
    rowid = step * rblk + lax.broadcasted_iota(jnp.int32, (rblk, 1), 0)
    valid = rowid < N
    raw = pred_ref[...]
    copy_ref[...] = raw
    p = jnp.where(valid, raw, 0.0)
    obj = aux_ref[:, 0:1]
    nob = aux_ref[:, 1:2]
    tb = aux_ref[:, 2:6]
    col = aux_ref[:, 6:7].astype(jnp.int32)

    d = p[:, 0:4] - tb
    a_blk = jnp.sum(obj * (d * d))
    l4 = p[:, 4:5]
    sp4 = jnp.maximum(l4, 0.0) + jnp.log1p(jnp.exp(-jnp.abs(l4)))
    b_blk = jnp.sum(obj * (sp4 - l4))
    c_blk = jnp.sum(nob * sp4)
    cls = p[:, 5:NOUT]
    spc = jnp.maximum(cls, 0.0) + jnp.log1p(jnp.exp(-jnp.abs(cls)))
    s_blk = jnp.sum(obj * spc)
    lanes = lax.broadcasted_iota(jnp.int32, (rblk, NOUT), 1)
    pcol = jnp.sum(obj * jnp.where(lanes == col, p, 0.0))
    d_blk = s_blk - pcol

    acc[0] += a_blk
    acc[1] += b_blk
    acc[2] += c_blk
    acc[3] += d_blk
    acc[4] += jnp.sum(obj)
    acc[5] += jnp.sum(nob)

    @pl.when(step == pl.num_programs(0) - 1)
    def _():
        n_obj = acc[4]
        n_non = acc[5]
        total = ((acc[0] + acc[1]) / n_obj + acc[2] / n_non
                 + acc[3] / (n_obj * 80.0))
        out_ref[...] = jnp.full((1, 1), total, jnp.float32)


def _tc_loss(pred, aux):
    rblk = 1344
    grid = NPAD // rblk
    return pl.pallas_call(
        _tc_body,
        grid=(grid,),
        in_specs=[
            pl.BlockSpec((rblk, NOUT), lambda i: (i, 0)),
            pl.BlockSpec((rblk, 8), lambda i: (i, 0)),
        ],
        out_specs=[
            pl.BlockSpec((rblk, NOUT), lambda i: (i, 0)),
            pl.BlockSpec((1, 1), lambda i: (0, 0)),
        ],
        out_shape=[
            jax.ShapeDtypeStruct((N, NOUT), jnp.float32),
            jax.ShapeDtypeStruct((1, 1), jnp.float32),
        ],
        scratch_shapes=[pltpu.SMEM((8,), jnp.float32)],
    )(pred, aux)


def kernel(predictions, gt_boxes, gt_labels, priors):
    pred = predictions[0]

    priT = priors[:, :4].T
    priT = jnp.pad(priT, ((0, 0), (0, NPAD - N)))
    pri = priT.reshape(4, NW, CH).transpose(1, 0, 2)

    gx1 = gt_boxes[:, 0] - gt_boxes[:, 2] / 2.0
    gy1 = gt_boxes[:, 1] - gt_boxes[:, 3] / 2.0
    gx2 = gt_boxes[:, 0] + gt_boxes[:, 2] / 2.0
    gy2 = gt_boxes[:, 1] + gt_boxes[:, 3] / 2.0
    area_b = (gx2 - gx1) * (gy2 - gy1)
    gtb = jnp.broadcast_to(
        jnp.stack([gx1, gy1, gx2, gy2, area_b])[:, :, None], (5, G, 16)) + 0.0

    colf = (gt_labels + 5).astype(jnp.float32)
    gtg = jnp.concatenate(
        [gt_boxes.T, colf[None, :], jnp.zeros((3, G), jnp.float32)], axis=0)

    aux = _sc_match(pri, gtb, gtg).reshape(NPAD, 8)
    pred_copy, tot = _tc_loss(pred, aux)
    return pred_copy, tot[0, 0]

# --- scband reference (transcript-rebuilt; emitter-appended) ---
"""Pipeline reference for scband-multi-box-loss-62964220559865 (READ-ONLY COPY).

The authoritative reference and input builder live on the scoring server;
editing this copy changes nothing except your own understanding.
"""

import jax, jax.numpy as jnp
import numpy as np

N_PRIORS = 10647
N_OUT = 85
POS_IOU = 0.7
NEG_IOU = 0.3
N_SAMPLE = 256
POS_RATIO = 0.5


def cxcy_to_corners(b):
    return jnp.concatenate([b[:, :2] - b[:, 2:4] / 2.0, b[:, :2] + b[:, 2:4] / 2.0], axis=1)


def pairwise_iou(a, b):
    tl = jnp.maximum(a[:, None, :2], b[None, :, :2])
    br = jnp.minimum(a[:, None, 2:4], b[None, :, 2:4])
    wh = jnp.clip(br - tl, 0.0)
    inter = wh[..., 0] * wh[..., 1]
    area_a = (a[:, 2] - a[:, 0]) * (a[:, 3] - a[:, 1])
    area_b = (b[:, 2] - b[:, 0]) * (b[:, 3] - b[:, 1])
    return inter / (area_a[:, None] + area_b[None, :] - inter)


def bce_with_logits_elems(logits, t):
    return jnp.clip(logits, 0.0, None) - logits * t + jnp.log1p(jnp.exp(-jnp.abs(logits)))


def bce_with_logits_mean(logits, t):
    return jnp.mean(jnp.clip(logits, 0.0, None) - logits * t + jnp.log1p(jnp.exp(-jnp.abs(logits))))


def setup_inputs(seed: int = 0):
    key = jax.random.key(seed)
    k1, k2, k3, k4 = jax.random.split(key, 4)
    predictions = jax.random.normal(k1, (1, N_PRIORS, N_OUT), dtype=jnp.float32)
    u = jax.random.uniform(k2, (32, 4), dtype=jnp.float32)
    gt_boxes = jnp.concatenate([u[:, :2], 0.3 + 0.5 * u[:, 2:]], axis=1)
    gt_labels = jax.random.randint(k3, (32,), 0, 80)
    up = jax.random.uniform(k4, (N_PRIORS, 4), dtype=jnp.float32)
    priors4 = jnp.concatenate([up[:, :2], 0.3 + 0.5 * up[:, 2:]], axis=1)
    priors = jnp.concatenate([priors4, jnp.zeros((N_PRIORS, N_OUT - 4), dtype=jnp.float32)], axis=1)
    return {"predictions": predictions, "gt_boxes": gt_boxes, "gt_labels": gt_labels, "priors": priors}


def _trim_first(labels, mask, excess):
    rank = jnp.cumsum(mask) - 1
    return jnp.where(mask & (rank < excess), -1.0, labels)


def _generate_targets(priors, gt_boxes, gt_labels):
    corner_priors = cxcy_to_corners(priors[:, :4])
    corner_gts = cxcy_to_corners(gt_boxes)
    ious = pairwise_iou(corner_priors, corner_gts)
    gt_max_index = jnp.argmax(ious, axis=0)
    anchor_max_ious = jnp.max(ious, axis=1)
    anchor_max_index = jnp.argmax(ious, axis=1)
    labels = jnp.full((N_PRIORS,), -1.0, dtype=jnp.float32)
    labels = labels.at[gt_max_index].set(1.0)
    labels = jnp.where(anchor_max_ious >= POS_IOU, 1.0, labels)
    labels = jnp.where(anchor_max_ious < NEG_IOU, 0.0, labels)
    n_pos = int(POS_RATIO * N_SAMPLE)
    pos_mask = labels == 1.0
    n_pos_actual = jnp.sum(pos_mask)
    excess_pos = n_pos_actual - n_pos
    labels = _trim_first(labels, pos_mask, excess_pos)
    neg_mask = labels == 0.0
    n_neg_actual = jnp.sum(neg_mask)
    n_neg_req = N_SAMPLE - jnp.sum(labels == 1.0)
    excess_neg = n_neg_actual - n_neg_req
    labels = _trim_first(labels, neg_mask, excess_neg)
    anchor_gt_box = gt_boxes[anchor_max_index]
    targets = jnp.zeros((N_PRIORS, N_OUT), dtype=jnp.float32)
    targets = targets.at[:, :4].set(anchor_gt_box)
    targets = targets.at[:, 4].set(labels)
    cols = (gt_labels + 5)[anchor_max_index]
    targets = targets.at[jnp.arange(N_PRIORS), cols].set(1.0)
    return targets


def reference(predictions, gt_boxes, gt_labels, priors):
    targets = _generate_targets(priors, gt_boxes, gt_labels)
    obj_mask = (targets[:, 4] == 1.0).astype(jnp.float32)
    non_obj_mask = (targets[:, 4] == 0.0).astype(jnp.float32)
    n_obj = jnp.sum(obj_mask)
    n_non_obj = jnp.sum(non_obj_mask)
    pred = predictions[0]
    loss_x = jnp.sum(obj_mask * (pred[:, 0] - targets[:, 0]) ** 2) / n_obj
    loss_y = jnp.sum(obj_mask * (pred[:, 1] - targets[:, 1]) ** 2) / n_obj
    loss_w = jnp.sum(obj_mask * (pred[:, 2] - targets[:, 2]) ** 2) / n_obj
    loss_h = jnp.sum(obj_mask * (pred[:, 3] - targets[:, 3]) ** 2) / n_obj
    conf_elems = bce_with_logits_elems(pred[:, 4], targets[:, 4])
    loss_conf_obj = jnp.sum(obj_mask * conf_elems) / n_obj
    loss_conf_nonobj = jnp.sum(non_obj_mask * conf_elems) / n_non_obj
    class_elems = bce_with_logits_elems(pred[:, 5:], targets[:, 5:])
    loss_class = jnp.sum(obj_mask[:, None] * class_elems) / (n_obj * (N_OUT - 5))
    total_loss = loss_x + loss_y + loss_w + loss_h + loss_conf_obj + loss_conf_nonobj + loss_class
    return (pred, total_loss)

if __name__ == "__main__":
    import jax
    _d = setup_inputs()
    print(jax.jit(kernel)(*tuple(_d.values())))

</pallas_src>

<mosaic_0001>
#map = affine_map<(d0, d1) -> (0, 0, 0)>
#map1 = affine_map<(d0, d1) -> (0, 0)>
#map2 = affine_map<(d0, d1) -> (0)>
module attributes {stable_mosaic.version = 14 : i64} {
  func.func @k(%arg0: i32, %arg1: i32, %arg2: memref<16x4x672xf32, #tpu.memory_space<hbm>>, %arg3: memref<5x32x16xf32, #tpu.memory_space<hbm>>, %arg4: memref<8x32xf32, #tpu.memory_space<hbm>>, %arg5: memref<86016xf32, #tpu.memory_space<hbm>>, %arg6: memref<16x16xi32, #tpu.memory_space<vmem>>, %arg7: memref<16x80xf32, #tpu.memory_space<vmem>>, %arg8: memref<5x672xf32, #tpu.memory_space<vmem>>, %arg9: memref<32x16xi32, #tpu.memory_space<vmem>>, %arg10: memref<32x16xf32, #tpu.memory_space<vmem>>, %arg11: memref<5x32x16xf32, #tpu.memory_space<vmem>>, %arg12: memref<8x32xf32, #tpu.memory_space<vmem>>, %arg13: memref<672xf32, #tpu.memory_space<vmem>>, %arg14: memref<16xi32, #tpu.memory_space<vmem>>, %arg15: memref<80xf32, #tpu.memory_space<vmem>>, %arg16: memref<5376xf32, #tpu.memory_space<vmem>>, %arg17: memref<672xi32, #tpu.memory_space<vmem>>, %arg18: memref<672xf32, #tpu.memory_space<vmem>>, %arg19: memref<4x672xf32, #tpu.memory_space<vmem>>, %arg20: memref<16x80xf32, #tpu.memory_space<vmem_shared>>, %arg21: memref<16x16xi32, #tpu.memory_space<vmem_shared>>) attributes {dimension_semantics = [#tpu.dimension_semantics<core_parallel>, #tpu.dimension_semantics<subcore_parallel>], iteration_bounds = array<i64: 1, 16>, scalar_prefetch = 0 : i64, scratch_operands = 16 : i64, tpu.core_type = #tpu.core_type<sc_vector_subcore>, window_params = [{transform_indices = #map}, {transform_indices = #map}, {transform_indices = #map1}, {transform_indices = #map2}]} {
    %mul3A = arith.constant 672 : i32
    %mul3A_0 = arith.muli %arg1, %mul3A : i32
    %iota3A = tpu.iota {dimensions = array<i32: 0>} : vector<16xi32>
    %broadcast_in_dim3A = arith.constant 1.000000e+00 : f32
    %broadcast_in_dim3A_1 = vector.broadcast %broadcast_in_dim3A : f32 to vector<16xf32>
    "tpu.region"() ({
      %run_scoped3A = tpu.sem_alloc : memref<!tpu.dma_semaphore, #tpu.memory_space<semaphore_mem>>
      %dma_start3A = arith.constant 0 : i32
      %dma_start3A_147 = arith.constant 0 : i32
      %dma_start3A_148 = tpu.memref_slice %arg2[%arg1, %dma_start3A, %dma_start3A_147] : memref<16x4x672xf32, #tpu.memory_space<hbm>> -> memref<1x4x672xf32, #tpu.memory_space<hbm>>
      %dma_start3A_149 = tpu.memref_squeeze %dma_start3A_148 : memref<1x4x672xf32, #tpu.memory_space<hbm>> -> memref<4x672xf32, #tpu.memory_space<hbm>>
      %dma_start3A_150 = arith.constant 0 : i32
      %dma_start3A_151 = arith.constant 0 : i32
      %dma_start3A_152 = tpu.memref_slice %arg2[%arg1, %dma_start3A_150, %dma_start3A_151] : memref<16x4x672xf32, #tpu.memory_space<hbm>> -> memref<1x4x672xf32, #tpu.memory_space<hbm>>
      %dma_start3A_153 = tpu.memref_squeeze %dma_start3A_152 : memref<1x4x672xf32, #tpu.memory_space<hbm>> -> memref<4x672xf32, #tpu.memory_space<hbm>>
      tpu.enqueue_dma source(%dma_start3A_153 : memref<4x672xf32, #tpu.memory_space<hbm>>) target(%arg19 : memref<4x672xf32, #tpu.memory_space<vmem>>) target_semaphore(%run_scoped3A : memref<!tpu.dma_semaphore, #tpu.memory_space<semaphore_mem>>)
      %dma_wait3A = arith.constant 0 : i32
      %dma_wait3A_154 = arith.constant 0 : i32
      %dma_wait3A_155 = tpu.memref_slice %arg2[%arg1, %dma_wait3A, %dma_wait3A_154] : memref<16x4x672xf32, #tpu.memory_space<hbm>> -> memref<1x4x672xf32, #tpu.memory_space<hbm>>
      %dma_wait3A_156 = tpu.memref_squeeze %dma_wait3A_155 : memref<1x4x672xf32, #tpu.memory_space<hbm>> -> memref<4x672xf32, #tpu.memory_space<hbm>>
      %dma_wait3A_157 = arith.constant 0 : i32
      %dma_wait3A_158 = arith.constant 0 : i32
      %dma_wait3A_159 = tpu.memref_slice %arg2[%arg1, %dma_wait3A_157, %dma_wait3A_158] : memref<16x4x672xf32, #tpu.memory_space<hbm>> -> memref<1x4x672xf32, #tpu.memory_space<hbm>>
      %dma_wait3A_160 = tpu.memref_squeeze %dma_wait3A_159 : memref<1x4x672xf32, #tpu.memory_space<hbm>> -> memref<4x672xf32, #tpu.memory_space<hbm>>
      tpu.wait_dma2 semaphore(%run_scoped3A : memref<!tpu.dma_semaphore, #tpu.memory_space<semaphore_mem>>) src(%dma_wait3A_160 : memref<4x672xf32, #tpu.memory_space<hbm>>) dst(%arg19 : memref<4x672xf32, #tpu.memory_space<vmem>>)
      tpu.yield
    }) : () -> ()
    "tpu.region"() ({
      %run_scoped3A = tpu.sem_alloc : memref<!tpu.dma_semaphore, #tpu.memory_space<semaphore_mem>>
      tpu.enqueue_dma source(%arg3 : memref<5x32x16xf32, #tpu.memory_space<hbm>>) target(%arg11 : memref<5x32x16xf32, #tpu.memory_space<vmem>>) target_semaphore(%run_scoped3A : memref<!tpu.dma_semaphore, #tpu.memory_space<semaphore_mem>>)
      tpu.wait_dma2 semaphore(%run_scoped3A : memref<!tpu.dma_semaphore, #tpu.memory_space<semaphore_mem>>) src(%arg3 : memref<5x32x16xf32, #tpu.memory_space<hbm>>) dst(%arg11 : memref<5x32x16xf32, #tpu.memory_space<vmem>>)
      tpu.yield
    }) : () -> ()
    "tpu.region"() ({
      %run_scoped3A = tpu.sem_alloc : memref<!tpu.dma_semaphore, #tpu.memory_space<semaphore_mem>>
      tpu.enqueue_dma source(%arg4 : memref<8x32xf32, #tpu.memory_space<hbm>>) target(%arg12 : memref<8x32xf32, #tpu.memory_space<vmem>>) target_semaphore(%run_scoped3A : memref<!tpu.dma_semaphore, #tpu.memory_space<semaphore_mem>>)
      tpu.wait_dma2 semaphore(%run_scoped3A : memref<!tpu.dma_semaphore, #tpu.memory_space<semaphore_mem>>) src(%arg4 : memref<8x32xf32, #tpu.memory_space<hbm>>) dst(%arg12 : memref<8x32xf32, #tpu.memory_space<vmem>>)
      tpu.yield
    }) : () -> ()
    %scan3A = arith.constant 0 : i32
    %scan3A_2 = arith.constant 0 : i32
    %scan3A_3 = arith.constant 42 : i32
    %scan3A_4 = arith.addi %scan3A_2, %scan3A_3 : i32
    %scan3A_5 = arith.constant 1 : i32
    %scan3A_6 = scf.for %scan3A_147 = %scan3A_2 to %scan3A_4 step %scan3A_5 iter_args(%scan3A_148 = %scan3A) -> (i32)  : i32 {
      %mul3A_149 = arith.constant 16 : i32
      %mul3A_150 = arith.muli %scan3A_147, %mul3A_149 : i32
      %get3A = arith.constant 0 : i32
      %get3A_151 = arith.index_cast %get3A : i32 to index
      %get3A_152 = arith.index_cast %mul3A_150 : i32 to index
      %get3A_153 = tpu.vector_load %arg19[%get3A_151, %get3A_152] {strides = array<i32>} : memref<4x672xf32, #tpu.memory_space<vmem>>, vector<16xf32>,
      %get3A_154 = arith.constant 1 : i32
      %get3A_155 = arith.index_cast %get3A_154 : i32 to index
      %get3A_156 = arith.index_cast %mul3A_150 : i32 to index
      %get3A_157 = tpu.vector_load %arg19[%get3A_155, %get3A_156] {strides = array<i32>} : memref<4x672xf32, #tpu.memory_space<vmem>>, vector<16xf32>,
      %get3A_158 = arith.constant 2 : i32
      %get3A_159 = arith.index_cast %get3A_158 : i32 to index
      %get3A_160 = arith.index_cast %mul3A_150 : i32 to index
      %get3A_161 = tpu.vector_load %arg19[%get3A_159, %get3A_160] {strides = array<i32>} : memref<4x672xf32, #tpu.memory_space<vmem>>, vector<16xf32>,
      %get3A_162 = arith.constant 3 : i32
      %get3A_163 = arith.index_cast %get3A_162 : i32 to index
      %get3A_164 = arith.index_cast %mul3A_150 : i32 to index
      %get3A_165 = tpu.vector_load %arg19[%get3A_163, %get3A_164] {strides = array<i32>} : memref<4x672xf32, #tpu.memory_space<vmem>>, vector<16xf32>,
      %div3A = arith.constant 2.000000e+00 : f32
      %div3A_166 = vector.broadcast %div3A : f32 to vector<16xf32>
      %div3A_167 = arith.divf %get3A_161, %div3A_166 : vector<16xf32>
      %sub3A_168 = arith.subf %get3A_153, %div3A_167 : vector<16xf32>
      %div3A_169 = arith.constant 2.000000e+00 : f32
      %div3A_170 = vector.broadcast %div3A_169 : f32 to vector<16xf32>
      %div3A_171 = arith.divf %get3A_165, %div3A_170 : vector<16xf32>
      %sub3A_172 = arith.subf %get3A_157, %div3A_171 : vector<16xf32>
      %div3A_173 = arith.constant 2.000000e+00 : f32
      %div3A_174 = vector.broadcast %div3A_173 : f32 to vector<16xf32>
      %div3A_175 = arith.divf %get3A_161, %div3A_174 : vector<16xf32>
      %add3A = arith.addf %get3A_153, %div3A_175 : vector<16xf32>
      %div3A_176 = arith.constant 2.000000e+00 : f32
      %div3A_177 = vector.broadcast %div3A_176 : f32 to vector<16xf32>
      %div3A_178 = arith.divf %get3A_165, %div3A_177 : vector<16xf32>
      %add3A_179 = arith.addf %get3A_157, %div3A_178 : vector<16xf32>
      %swap3A_180 = arith.constant 0 : i32
      %swap3A_181 = arith.index_cast %swap3A_180 : i32 to index
      %swap3A_182 = arith.index_cast %mul3A_150 : i32 to index
      %swap3A_183 = tpu.vector_load %arg8[%swap3A_181, %swap3A_182] {strides = array<i32>} : memref<5x672xf32, #tpu.memory_space<vmem>>, vector<16xf32>,
      tpu.vector_store %arg8[%swap3A_181, %swap3A_182], %sub3A_168 {strides = array<i32>} : memref<5x672xf32, #tpu.memory_space<vmem>>, vector<16xf32>,
      %swap3A_184 = arith.constant 1 : i32
      %swap3A_185 = arith.index_cast %swap3A_184 : i32 to index
      %swap3A_186 = arith.index_cast %mul3A_150 : i32 to index
      %swap3A_187 = tpu.vector_load %arg8[%swap3A_185, %swap3A_186] {strides = array<i32>} : memref<5x672xf32, #tpu.memory_space<vmem>>, vector<16xf32>,
      tpu.vector_store %arg8[%swap3A_185, %swap3A_186], %sub3A_172 {strides = array<i32>} : memref<5x672xf32, #tpu.memory_space<vmem>>, vector<16xf32>,
      %swap3A_188 = arith.constant 2 : i32
      %swap3A_189 = arith.index_cast %swap3A_188 : i32 to index
      %swap3A_190 = arith.index_cast %mul3A_150 : i32 to index
      %swap3A_191 = tpu.vector_load %arg8[%swap3A_189, %swap3A_190] {strides = array<i32>} : memref<5x672xf32, #tpu.memory_space<vmem>>, vector<16xf32>,
      tpu.vector_store %arg8[%swap3A_189, %swap3A_190], %add3A {strides = array<i32>} : memref<5x672xf32, #tpu.memory_space<vmem>>, vector<16xf32>,
      %swap3A_192 = arith.constant 3 : i32
      %swap3A_193 = arith.index_cast %swap3A_192 : i32 to index
      %swap3A_194 = arith.index_cast %mul3A_150 : i32 to index
      %swap3A_195 = tpu.vector_load %arg8[%swap3A_193, %swap3A_194] {strides = array<i32>} : memref<5x672xf32, #tpu.memory_space<vmem>>, vector<16xf32>,
      tpu.vector_store %arg8[%swap3A_193, %swap3A_194], %add3A_179 {strides = array<i32>} : memref<5x672xf32, #tpu.memory_space<vmem>>, vector<16xf32>,
      %sub3A_196 = arith.subf %add3A, %sub3A_168 : vector<16xf32>
      %sub3A_197 = arith.subf %add3A_179, %sub3A_172 : vector<16xf32>
      %mul3A_198 = arith.mulf %sub3A_196, %sub3A_197 : vector<16xf32>
      %swap3A_199 = arith.constant 4 : i32
      %swap3A_200 = arith.index_cast %swap3A_199 : i32 to index
      %swap3A_201 = arith.index_cast %mul3A_150 : i32 to index
      %swap3A_202 = tpu.vector_load %arg8[%swap3A_200, %swap3A_201] {strides = array<i32>} : memref<5x672xf32, #tpu.memory_space<vmem>>, vector<16xf32>,
      tpu.vector_store %arg8[%swap3A_200, %swap3A_201], %mul3A_198 {strides = array<i32>} : memref<5x672xf32, #tpu.memory_space<vmem>>, vector<16xf32>,
      %broadcast_in_dim3A_203 = arith.constant -1.000000e+00 : f32
      %broadcast_in_dim3A_204 = vector.broadcast %broadcast_in_dim3A_203 : f32 to vector<16xf32>
      %swap3A_205 = arith.index_cast %mul3A_150 : i32 to index
      %swap3A_206 = tpu.vector_load %arg18[%swap3A_205] {strides = array<i32>} : memref<672xf32, #tpu.memory_space<vmem>>, vector<16xf32>,
      tpu.vector_store %arg18[%swap3A_205], %broadcast_in_dim3A_204 {strides = array<i32>} : memref<672xf32, #tpu.memory_space<vmem>>, vector<16xf32>,
      %broadcast_in_dim3A_207 = arith.constant 0 : i32
      %broadcast_in_dim3A_208 = vector.broadcast %broadcast_in_dim3A_207 : i32 to vector<16xi32>
      %swap3A_209 = arith.index_cast %mul3A_150 : i32 to index
      %swap3A_210 = tpu.vector_load %arg17[%swap3A_209] {strides = array<i32>} : memref<672xi32, #tpu.memory_space<vmem>>, vector<16xi32>,
      tpu.vector_store %arg17[%swap3A_209], %broadcast_in_dim3A_208 {strides = array<i32>} : memref<672xi32, #tpu.memory_space<vmem>>, vector<16xi32>,
      %scan3A_211 = arith.constant 0 : i32
      scf.yield %scan3A_211 : i32
    }
    %scan3A_7 = arith.constant 42 : i32
    %scan3A_8 = arith.constant 0 : i32
    %scan3A_9 = arith.constant 0 : i32
    %scan3A_10 = arith.constant 8 : i32
    %scan3A_11 = arith.addi %scan3A_9, %scan3A_10 : i32
    %scan3A_12 = arith.constant 1 : i32
    %scan3A_13 = scf.for %scan3A_147 = %scan3A_9 to %scan3A_11 step %scan3A_12 iter_args(%scan3A_148 = %scan3A_8) -> (i32)  : i32 {
      %mul3A_149 = arith.constant 4 : i32
      %mul3A_150 = arith.muli %scan3A_147, %mul3A_149 : i32
      %add3A = arith.constant 0 : i32
      %add3A_151 = arith.addi %mul3A_150, %add3A : i32
      %get3A = arith.constant 0 : i32
      %get3A_152 = arith.index_cast %get3A : i32 to index
      %get3A_153 = arith.index_cast %add3A_151 : i32 to index
      %get3A_154 = arith.constant 0 : index
      %get3A_155 = tpu.vector_load %arg11[%get3A_152, %get3A_153, %get3A_154] {strides = array<i32>} : memref<5x32x16xf32, #tpu.memory_space<vmem>>, vector<16xf32>,
      %add3A_156 = arith.constant 0 : i32
      %add3A_157 = arith.addi %mul3A_150, %add3A_156 : i32
      %get3A_158 = arith.constant 1 : i32
      %get3A_159 = arith.index_cast %get3A_158 : i32 to index
      %get3A_160 = arith.index_cast %add3A_157 : i32 to index
      %get3A_161 = arith.constant 0 : index
      %get3A_162 = tpu.vector_load %arg11[%get3A_159, %get3A_160, %get3A_161] {strides = array<i32>} : memref<5x32x16xf32, #tpu.memory_space<vmem>>, vector<16xf32>,
      %add3A_163 = arith.constant 0 : i32
      %add3A_164 = arith.addi %mul3A_150, %add3A_163 : i32
      %get3A_165 = arith.constant 2 : i32
      %get3A_166 = arith.index_cast %get3A_165 : i32 to index
      %get3A_167 = arith.index_cast %add3A_164 : i32 to index
      %get3A_168 = arith.constant 0 : index
      %get3A_169 = tpu.vector_load %arg11[%get3A_166, %get3A_167, %get3A_168] {strides = array<i32>} : memref<5x32x16xf32, #tpu.memory_space<vmem>>, vector<16xf32>,
      %add3A_170 = arith.constant 0 : i32
      %add3A_171 = arith.addi %mul3A_150, %add3A_170 : i32
      %get3A_172 = arith.constant 3 : i32
      %get3A_173 = arith.index_cast %get3A_172 : i32 to index
      %get3A_174 = arith.index_cast %add3A_171 : i32 to index
      %get3A_175 = arith.constant 0 : index
      %get3A_176 = tpu.vector_load %arg11[%get3A_173, %get3A_174, %get3A_175] {strides = array<i32>} : memref<5x32x16xf32, #tpu.memory_space<vmem>>, vector<16xf32>,
      %add3A_177 = arith.constant 0 : i32
      %add3A_178 = arith.addi %mul3A_150, %add3A_177 : i32
      %get3A_179 = arith.constant 4 : i32
      %get3A_180 = arith.index_cast %get3A_179 : i32 to index
      %get3A_181 = arith.index_cast %add3A_178 : i32 to index
      %get3A_182 = arith.constant 0 : index
      %get3A_183 = tpu.vector_load %arg11[%get3A_180, %get3A_181, %get3A_182] {strides = array<i32>} : memref<5x32x16xf32, #tpu.memory_space<vmem>>, vector<16xf32>,
      %add3A_184 = arith.constant 1 : i32
      %add3A_185 = arith.addi %mul3A_150, %add3A_184 : i32
      %get3A_186 = arith.constant 0 : i32
      %get3A_187 = arith.index_cast %get3A_186 : i32 to index
      %get3A_188 = arith.index_cast %add3A_185 : i32 to index
      %get3A_189 = arith.constant 0 : index
      %get3A_190 = tpu.vector_load %arg11[%get3A_187, %get3A_188, %get3A_189] {strides = array<i32>} : memref<5x32x16xf32, #tpu.memory_space<vmem>>, vector<16xf32>,
      %add3A_191 = arith.constant 1 : i32
      %add3A_192 = arith.addi %mul3A_150, %add3A_191 : i32
      %get3A_193 = arith.constant 1 : i32
      %get3A_194 = arith.index_cast %get3A_193 : i32 to index
      %get3A_195 = arith.index_cast %add3A_192 : i32 to index
      %get3A_196 = arith.constant 0 : index
      %get3A_197 = tpu.vector_load %arg11[%get3A_194, %get3A_195, %get3A_196] {strides = array<i32>} : memref<5x32x16xf32, #tpu.memory_space<vmem>>, vector<16xf32>,
      %add3A_198 = arith.constant 1 : i32
      %add3A_199 = arith.addi %mul3A_150, %add3A_198 : i32
      %get3A_200 = arith.constant 2 : i32
      %get3A_201 = arith.index_cast %get3A_200 : i32 to index
      %get3A_202 = arith.index_cast %add3A_199 : i32 to index
      %get3A_203 = arith.constant 0 : index
      %get3A_204 = tpu.vector_load %arg11[%get3A_201, %get3A_202, %get3A_203] {strides = array<i32>} : memref<5x32x16xf32, #tpu.memory_space<vmem>>, vector<16xf32>,
      %add3A_205 = arith.constant 1 : i32
      %add3A_206 = arith.addi %mul3A_150, %add3A_205 : i32
      %get3A_207 = arith.constant 3 : i32
      %get3A_208 = arith.index_cast %get3A_207 : i32 to index
      %get3A_209 = arith.index_cast %add3A_206 : i32 to index
      %get3A_210 = arith.constant 0 : index
      %get3A_211 = tpu.vector_load %arg11[%get3A_208, %get3A_209, %get3A_210] {strides = array<i32>} : memref<5x32x16xf32, #tpu.memory_space<vmem>>, vector<16xf32>,
      %add3A_212 = arith.constant 1 : i32
      %add3A_213 = arith.addi %mul3A_150, %add3A_212 : i32
      %get3A_214 = arith.constant 4 : i32
      %get3A_215 = arith.index_cast %get3A_214 : i32 to index
      %get3A_216 = arith.index_cast %add3A_213 : i32 to index
      %get3A_217 = arith.constant 0 : index
      %get3A_218 = tpu.vector_load %arg11[%get3A_215, %get3A_216, %get3A_217] {strides = array<i32>} : memref<5x32x16xf32, #tpu.memory_space<vmem>>, vector<16xf32>,
      %add3A_219 = arith.constant 2 : i32
      %add3A_220 = arith.addi %mul3A_150, %add3A_219 : i32
      %get3A_221 = arith.constant 0 : i32
      %get3A_222 = arith.index_cast %get3A_221 : i32 to index
      %get3A_223 = arith.index_cast %add3A_220 : i32 to index
      %get3A_224 = arith.constant 0 : index
      %get3A_225 = tpu.vector_load %arg11[%get3A_222, %get3A_223, %get3A_224] {strides = array<i32>} : memref<5x32x16xf32, #tpu.memory_space<vmem>>, vector<16xf32>,
      %add3A_226 = arith.constant 2 : i32
      %add3A_227 = arith.addi %mul3A_150, %add3A_226 : i32
      %get3A_228 = arith.constant 1 : i32
      %get3A_229 = arith.index_cast %get3A_228 : i32 to index
      %get3A_230 = arith.index_cast %add3A_227 : i32 to index
      %get3A_231 = arith.constant 0 : index
      %get3A_232 = tpu.vector_load %arg11[%get3A_229, %get3A_230, %get3A_231] {strides = array<i32>} : memref<5x32x16xf32, #tpu.memory_space<vmem>>, vector<16xf32>,
      %add3A_233 = arith.constant 2 : i32
      %add3A_234 = arith.addi %mul3A_150, %add3A_233 : i32
      %get3A_235 = arith.constant 2 : i32
      %get3A_236 = arith.index_cast %get3A_235 : i32 to index
      %get3A_237 = arith.index_cast %add3A_234 : i32 to index
      %get3A_238 = arith.constant 0 : index
      %get3A_239 = tpu.vector_load %arg11[%get3A_236, %get3A_237, %get3A_238] {strides = array<i32>} : memref<5x32x16xf32, #tpu.memory_space<vmem>>, vector<16xf32>,
      %add3A_240 = arith.constant 2 : i32
      %add3A_241 = arith.addi %mul3A_150, %add3A_240 : i32
      %get3A_242 = arith.constant 3 : i32
      %get3A_243 = arith.index_cast %get3A_242 : i32 to index
      %get3A_244 = arith.index_cast %add3A_241 : i32 to index
      %get3A_245 = arith.constant 0 : index
      %get3A_246 = tpu.vector_load %arg11[%get3A_243, %get3A_244, %get3A_245] {strides = array<i32>} : memref<5x32x16xf32, #tpu.memory_space<vmem>>, vector<16xf32>,
      %add3A_247 = arith.constant 2 : i32
      %add3A_248 = arith.addi %mul3A_150, %add3A_247 : i32
      %get3A_249 = arith.constant 4 : i32
      %get3A_250 = arith.index_cast %get3A_249 : i32 to index
      %get3A_251 = arith.index_cast %add3A_248 : i32 to index
      %get3A_252 = arith.constant 0 : index
      %get3A_253 = tpu.vector_load %arg11[%get3A_250, %get3A_251, %get3A_252] {strides = array<i32>} : memref<5x32x16xf32, #tpu.memory_space<vmem>>, vector<16xf32>,
      %add3A_254 = arith.constant 3 : i32
      %add3A_255 = arith.addi %mul3A_150, %add3A_254 : i32
      %get3A_256 = arith.constant 0 : i32
      %get3A_257 = arith.index_cast %get3A_256 : i32 to index
      %get3A_258 = arith.index_cast %add3A_255 : i32 to index
      %get3A_259 = arith.constant 0 : index
      %get3A_260 = tpu.vector_load %arg11[%get3A_257, %get3A_258, %get3A_259] {strides = array<i32>} : memref<5x32x16xf32, #tpu.memory_space<vmem>>, vector<16xf32>,
      %add3A_261 = arith.constant 3 : i32
      %add3A_262 = arith.addi %mul3A_150, %add3A_261 : i32
      %get3A_263 = arith.constant 1 : i32
      %get3A_264 = arith.index_cast %get3A_263 : i32 to index
      %get3A_265 = arith.index_cast %add3A_262 : i32 to index
      %get3A_266 = arith.constant 0 : index
      %get3A_267 = tpu.vector_load %arg11[%get3A_264, %get3A_265, %get3A_266] {strides = array<i32>} : memref<5x32x16xf32, #tpu.memory_space<vmem>>, vector<16xf32>,
      %add3A_268 = arith.constant 3 : i32
      %add3A_269 = arith.addi %mul3A_150, %add3A_268 : i32
      %get3A_270 = arith.constant 2 : i32
      %get3A_271 = arith.index_cast %get3A_270 : i32 to index
      %get3A_272 = arith.index_cast %add3A_269 : i32 to index
      %get3A_273 = arith.constant 0 : index
      %get3A_274 = tpu.vector_load %arg11[%get3A_271, %get3A_272, %get3A_273] {strides = array<i32>} : memref<5x32x16xf32, #tpu.memory_space<vmem>>, vector<16xf32>,
      %add3A_275 = arith.constant 3 : i32
      %add3A_276 = arith.addi %mul3A_150, %add3A_275 : i32
      %get3A_277 = arith.constant 3 : i32
      %get3A_278 = arith.index_cast %get3A_277 : i32 to index
      %get3A_279 = arith.index_cast %add3A_276 : i32 to index
      %get3A_280 = arith.constant 0 : index
      %get3A_281 = tpu.vector_load %arg11[%get3A_278, %get3A_279, %get3A_280] {strides = array<i32>} : memref<5x32x16xf32, #tpu.memory_space<vmem>>, vector<16xf32>,
      %add3A_282 = arith.constant 3 : i32
      %add3A_283 = arith.addi %mul3A_150, %add3A_282 : i32
      %get3A_284 = arith.constant 4 : i32
      %get3A_285 = arith.index_cast %get3A_284 : i32 to index
      %get3A_286 = arith.index_cast %add3A_283 : i32 to index
      %get3A_287 = arith.constant 0 : index
      %get3A_288 = tpu.vector_load %arg11[%get3A_285, %get3A_286, %get3A_287] {strides = array<i32>} : memref<5x32x16xf32, #tpu.memory_space<vmem>>, vector<16xf32>,
      %broadcast_in_dim3A_289 = arith.constant -1.000000e+00 : f32
      %broadcast_in_dim3A_290 = vector.broadcast %broadcast_in_dim3A_289 : f32 to vector<16xf32>
      %broadcast_in_dim3A_291 = arith.constant -1.000000e+00 : f32
      %broadcast_in_dim3A_292 = vector.broadcast %broadcast_in_dim3A_291 : f32 to vector<16xf32>
      %broadcast_in_dim3A_293 = arith.constant -1.000000e+00 : f32
      %broadcast_in_dim3A_294 = vector.broadcast %broadcast_in_dim3A_293 : f32 to vector<16xf32>
      %broadcast_in_dim3A_295 = arith.constant -1.000000e+00 : f32
      %broadcast_in_dim3A_296 = vector.broadcast %broadcast_in_dim3A_295 : f32 to vector<16xf32>
      %broadcast_in_dim3A_297 = arith.constant 0 : i32
      %broadcast_in_dim3A_298 = vector.broadcast %broadcast_in_dim3A_297 : i32 to vector<16xi32>
      %broadcast_in_dim3A_299 = arith.constant 0 : i32
      %broadcast_in_dim3A_300 = vector.broadcast %broadcast_in_dim3A_299 : i32 to vector<16xi32>
      %broadcast_in_dim3A_301 = arith.constant 0 : i32
      %broadcast_in_dim3A_302 = vector.broadcast %broadcast_in_dim3A_301 : i32 to vector<16xi32>
      %broadcast_in_dim3A_303 = arith.constant 0 : i32
      %broadcast_in_dim3A_304 = vector.broadcast %broadcast_in_dim3A_303 : i32 to vector<16xi32>
      %scan3A_305 = arith.constant 0 : i32
      %scan3A_306 = arith.constant 42 : i32
      %scan3A_307 = arith.addi %scan3A_305, %scan3A_306 : i32
      %scan3A_308 = arith.constant 1 : i32
      %scan3A_309:8 = scf.for %scan3A_352 = %scan3A_305 to %scan3A_307 step %scan3A_308 iter_args(%scan3A_353 = %broadcast_in_dim3A_290, %scan3A_354 = %broadcast_in_dim3A_292, %scan3A_355 = %broadcast_in_dim3A_294, %scan3A_356 = %broadcast_in_dim3A_296, %scan3A_357 = %broadcast_in_dim3A_298, %scan3A_358 = %broadcast_in_dim3A_300, %scan3A_359 = %broadcast_in_dim3A_302, %scan3A_360 = %broadcast_in_dim3A_304) -> (vector<16xf32>, vector<16xf32>, vector<16xf32>, vector<16xf32>, vector<16xi32>, vector<16xi32>, vector<16xi32>, vector<16xi32>)  : i32 {
        %mul3A_361 = arith.constant 16 : i32
        %mul3A_362 = arith.muli %scan3A_352, %mul3A_361 : i32
        %get3A_363 = arith.constant 0 : i32
        %get3A_364 = arith.index_cast %get3A_363 : i32 to index
        %get3A_365 = arith.index_cast %mul3A_362 : i32 to index
        %get3A_366 = tpu.vector_load %arg8[%get3A_364, %get3A_365] {strides = array<i32>} : memref<5x672xf32, #tpu.memory_space<vmem>>, vector<16xf32>,
        %get3A_367 = arith.constant 1 : i32
        %get3A_368 = arith.index_cast %get3A_367 : i32 to index
        %get3A_369 = arith.index_cast %mul3A_362 : i32 to index
        %get3A_370 = tpu.vector_load %arg8[%get3A_368, %get3A_369] {strides = array<i32>} : memref<5x672xf32, #tpu.memory_space<vmem>>, vector<16xf32>,
        %get3A_371 = arith.constant 2 : i32
        %get3A_372 = arith.index_cast %get3A_371 : i32 to index
        %get3A_373 = arith.index_cast %mul3A_362 : i32 to index
        %get3A_374 = tpu.vector_load %arg8[%get3A_372, %get3A_373] {strides = array<i32>} : memref<5x672xf32, #tpu.memory_space<vmem>>, vector<16xf32>,
        %get3A_375 = arith.constant 3 : i32
        %get3A_376 = arith.index_cast %get3A_375 : i32 to index
        %get3A_377 = arith.index_cast %mul3A_362 : i32 to index
        %get3A_378 = tpu.vector_load %arg8[%get3A_376, %get3A_377] {strides = array<i32>} : memref<5x672xf32, #tpu.memory_space<vmem>>, vector<16xf32>,
        %get3A_379 = arith.constant 4 : i32
        %get3A_380 = arith.index_cast %get3A_379 : i32 to index
        %get3A_381 = arith.index_cast %mul3A_362 : i32 to index
        %get3A_382 = tpu.vector_load %arg8[%get3A_380, %get3A_381] {strides = array<i32>} : memref<5x672xf32, #tpu.memory_space<vmem>>, vector<16xf32>,
        %get3A_383 = arith.index_cast %mul3A_362 : i32 to index
        %get3A_384 = tpu.vector_load %arg18[%get3A_383] {strides = array<i32>} : memref<672xf32, #tpu.memory_space<vmem>>, vector<16xf32>,
        %get3A_385 = arith.index_cast %mul3A_362 : i32 to index
        %get3A_386 = tpu.vector_load %arg17[%get3A_385] {strides = array<i32>} : memref<672xi32, #tpu.memory_space<vmem>>, vector<16xi32>,
        %mul3A_387 = arith.constant 16 : i32
        %mul3A_388 = arith.muli %scan3A_352, %mul3A_387 : i32
        %add3A_389 = arith.addi %mul3A_0, %mul3A_388 : i32
        %add3A_390 = vector.broadcast %add3A_389 : i32 to vector<16xi32>
        %add3A_391 = arith.addi %add3A_390, %iota3A : vector<16xi32>
        %min3A = arith.minimumf %get3A_374, %get3A_169 : vector<16xf32>
        %max3A_392 = arith.maximumf %get3A_366, %get3A_155 : vector<16xf32>
        %sub3A_393 = arith.subf %min3A, %max3A_392 : vector<16xf32>
        %max3A_394 = arith.constant 0.000000e+00 : f32
        %max3A_395 = vector.broadcast %max3A_394 : f32 to vector<16xf32>
        %max3A_396 = arith.maximumf %sub3A_393, %max3A_395 : vector<16xf32>
        %min3A_397 = arith.minimumf %get3A_378, %get3A_176 : vector<16xf32>
        %max3A_398 = arith.maximumf %get3A_370, %get3A_162 : vector<16xf32>
        %sub3A_399 = arith.subf %min3A_397, %max3A_398 : vector<16xf32>
        %max3A_400 = arith.constant 0.000000e+00 : f32
        %max3A_401 = vector.broadcast %max3A_400 : f32 to vector<16xf32>
        %max3A_402 = arith.maximumf %sub3A_399, %max3A_401 : vector<16xf32>
        %mul3A_403 = arith.mulf %max3A_396, %max3A_402 : vector<16xf32>
        %add3A_404 = arith.addf %get3A_382, %get3A_183 : vector<16xf32>
        %sub3A_405 = arith.subf %add3A_404, %mul3A_403 : vector<16xf32>
        %div3A = arith.divf %mul3A_403, %sub3A_405 : vector<16xf32>
        %gt3A = arith.cmpf ogt, %div3A, %get3A_384 : vector<16xf32>
        %select_n3A_406 = arith.select %gt3A, %div3A, %get3A_384 : vector<16xi1>, vector<16xf32>
        %add3A_407 = arith.constant 0 : i32
        %add3A_408 = arith.addi %mul3A_150, %add3A_407 : i32
        %broadcast_in_dim3A_409 = vector.broadcast %add3A_408 : i32 to vector<16xi32>
        %select_n3A_410 = arith.select %gt3A, %broadcast_in_dim3A_409, %get3A_386 : vector<16xi1>, vector<16xi32>
        %gt3A_411 = arith.cmpf ogt, %div3A, %scan3A_353 : vector<16xf32>
        %select_n3A_412 = arith.select %gt3A_411, %div3A, %scan3A_353 : vector<16xi1>, vector<16xf32>
        %select_n3A_413 = arith.select %gt3A_411, %add3A_391, %scan3A_357 : vector<16xi1>, vector<16xi32>
        %min3A_414 = arith.minimumf %get3A_374, %get3A_204 : vector<16xf32>
        %max3A_415 = arith.maximumf %get3A_366, %get3A_190 : vector<16xf32>
        %sub3A_416 = arith.subf %min3A_414, %max3A_415 : vector<16xf32>
        %max3A_417 = arith.constant 0.000000e+00 : f32
        %max3A_418 = vector.broadcast %max3A_417 : f32 to vector<16xf32>
        %max3A_419 = arith.maximumf %sub3A_416, %max3A_418 : vector<16xf32>
        %min3A_420 = arith.minimumf %get3A_378, %get3A_211 : vector<16xf32>
        %max3A_421 = arith.maximumf %get3A_370, %get3A_197 : vector<16xf32>
        %sub3A_422 = arith.subf %min3A_420, %max3A_421 : vector<16xf32>
        %max3A_423 = arith.constant 0.000000e+00 : f32
        %max3A_424 = vector.broadcast %max3A_423 : f32 to vector<16xf32>
        %max3A_425 = arith.maximumf %sub3A_422, %max3A_424 : vector<16xf32>
        %mul3A_426 = arith.mulf %max3A_419, %max3A_425 : vector<16xf32>
        %add3A_427 = arith.addf %get3A_382, %get3A_218 : vector<16xf32>
        %sub3A_428 = arith.subf %add3A_427, %mul3A_426 : vector<16xf32>
        %div3A_429 = arith.divf %mul3A_426, %sub3A_428 : vector<16xf32>
        %gt3A_430 = arith.cmpf ogt, %div3A_429, %select_n3A_406 : vector<16xf32>
        %select_n3A_431 = arith.select %gt3A_430, %div3A_429, %select_n3A_406 : vector<16xi1>, vector<16xf32>
        %add3A_432 = arith.constant 1 : i32
        %add3A_433 = arith.addi %mul3A_150, %add3A_432 : i32
        %broadcast_in_dim3A_434 = vector.broadcast %add3A_433 : i32 to vector<16xi32>
        %select_n3A_435 = arith.select %gt3A_430, %broadcast_in_dim3A_434, %select_n3A_410 : vector<16xi1>, vector<16xi32>
        %gt3A_436 = arith.cmpf ogt, %div3A_429, %scan3A_354 : vector<16xf32>
        %select_n3A_437 = arith.select %gt3A_436, %div3A_429, %scan3A_354 : vector<16xi1>, vector<16xf32>
        %select_n3A_438 = arith.select %gt3A_436, %add3A_391, %scan3A_358 : vector<16xi1>, vector<16xi32>
        %min3A_439 = arith.minimumf %get3A_374, %get3A_239 : vector<16xf32>
        %max3A_440 = arith.maximumf %get3A_366, %get3A_225 : vector<16xf32>
        %sub3A_441 = arith.subf %min3A_439, %max3A_440 : vector<16xf32>
        %max3A_442 = arith.constant 0.000000e+00 : f32
        %max3A_443 = vector.broadcast %max3A_442 : f32 to vector<16xf32>
        %max3A_444 = arith.maximumf %sub3A_441, %max3A_443 : vector<16xf32>
        %min3A_445 = arith.minimumf %get3A_378, %get3A_246 : vector<16xf32>
        %max3A_446 = arith.maximumf %get3A_370, %get3A_232 : vector<16xf32>
        %sub3A_447 = arith.subf %min3A_445, %max3A_446 : vector<16xf32>
        %max3A_448 = arith.constant 0.000000e+00 : f32
        %max3A_449 = vector.broadcast %max3A_448 : f32 to vector<16xf32>
        %max3A_450 = arith.maximumf %sub3A_447, %max3A_449 : vector<16xf32>
        %mul3A_451 = arith.mulf %max3A_444, %max3A_450 : vector<16xf32>
        %add3A_452 = arith.addf %get3A_382, %get3A_253 : vector<16xf32>
        %sub3A_453 = arith.subf %add3A_452, %mul3A_451 : vector<16xf32>
        %div3A_454 = arith.divf %mul3A_451, %sub3A_453 : vector<16xf32>
        %gt3A_455 = arith.cmpf ogt, %div3A_454, %select_n3A_431 : vector<16xf32>
        %select_n3A_456 = arith.select %gt3A_455, %div3A_454, %select_n3A_431 : vector<16xi1>, vector<16xf32>
        %add3A_457 = arith.constant 2 : i32
        %add3A_458 = arith.addi %mul3A_150, %add3A_457 : i32
        %broadcast_in_dim3A_459 = vector.broadcast %add3A_458 : i32 to vector<16xi32>
        %select_n3A_460 = arith.select %gt3A_455, %broadcast_in_dim3A_459, %select_n3A_435 : vector<16xi1>, vector<16xi32>
        %gt3A_461 = arith.cmpf ogt, %div3A_454, %scan3A_355 : vector<16xf32>
        %select_n3A_462 = arith.select %gt3A_461, %div3A_454, %scan3A_355 : vector<16xi1>, vector<16xf32>
        %select_n3A_463 = arith.select %gt3A_461, %add3A_391, %scan3A_359 : vector<16xi1>, vector<16xi32>
        %min3A_464 = arith.minimumf %get3A_374, %get3A_274 : vector<16xf32>
        %max3A_465 = arith.maximumf %get3A_366, %get3A_260 : vector<16xf32>
        %sub3A_466 = arith.subf %min3A_464, %max3A_465 : vector<16xf32>
        %max3A_467 = arith.constant 0.000000e+00 : f32
        %max3A_468 = vector.broadcast %max3A_467 : f32 to vector<16xf32>
        %max3A_469 = arith.maximumf %sub3A_466, %max3A_468 : vector<16xf32>
        %min3A_470 = arith.minimumf %get3A_378, %get3A_281 : vector<16xf32>
        %max3A_471 = arith.maximumf %get3A_370, %get3A_267 : vector<16xf32>
        %sub3A_472 = arith.subf %min3A_470, %max3A_471 : vector<16xf32>
        %max3A_473 = arith.constant 0.000000e+00 : f32
        %max3A_474 = vector.broadcast %max3A_473 : f32 to vector<16xf32>
        %max3A_475 = arith.maximumf %sub3A_472, %max3A_474 : vector<16xf32>
        %mul3A_476 = arith.mulf %max3A_469, %max3A_475 : vector<16xf32>
        %add3A_477 = arith.addf %get3A_382, %get3A_288 : vector<16xf32>
        %sub3A_478 = arith.subf %add3A_477, %mul3A_476 : vector<16xf32>
        %div3A_479 = arith.divf %mul3A_476, %sub3A_478 : vector<16xf32>
        %gt3A_480 = arith.cmpf ogt, %div3A_479, %select_n3A_456 : vector<16xf32>
        %select_n3A_481 = arith.select %gt3A_480, %div3A_479, %select_n3A_456 : vector<16xi1>, vector<16xf32>
        %add3A_482 = arith.constant 3 : i32
        %add3A_483 = arith.addi %mul3A_150, %add3A_482 : i32
        %broadcast_in_dim3A_484 = vector.broadcast %add3A_483 : i32 to vector<16xi32>
        %select_n3A_485 = arith.select %gt3A_480, %broadcast_in_dim3A_484, %select_n3A_460 : vector<16xi1>, vector<16xi32>
        %gt3A_486 = arith.cmpf ogt, %div3A_479, %scan3A_356 : vector<16xf32>
        %select_n3A_487 = arith.select %gt3A_486, %div3A_479, %scan3A_356 : vector<16xi1>, vector<16xf32>
        %select_n3A_488 = arith.select %gt3A_486, %add3A_391, %scan3A_360 : vector<16xi1>, vector<16xi32>
        %swap3A_489 = arith.index_cast %mul3A_362 : i32 to index
        %swap3A_490 = tpu.vector_load %arg18[%swap3A_489] {strides = array<i32>} : memref<672xf32, #tpu.memory_space<vmem>>, vector<16xf32>,
        tpu.vector_store %arg18[%swap3A_489], %select_n3A_481 {strides = array<i32>} : memref<672xf32, #tpu.memory_space<vmem>>, vector<16xf32>,
        %swap3A_491 = arith.index_cast %mul3A_362 : i32 to index
        %swap3A_492 = tpu.vector_load %arg17[%swap3A_491] {strides = array<i32>} : memref<672xi32, #tpu.memory_space<vmem>>, vector<16xi32>,
        tpu.vector_store %arg17[%swap3A_491], %select_n3A_485 {strides = array<i32>} : memref<672xi32, #tpu.memory_space<vmem>>, vector<16xi32>,
        scf.yield %select_n3A_412, %select_n3A_437, %select_n3A_462, %select_n3A_487, %select_n3A_413, %select_n3A_438, %select_n3A_463, %select_n3A_488 : vector<16xf32>, vector<16xf32>, vector<16xf32>, vector<16xf32>, vector<16xi32>, vector<16xi32>, vector<16xi32>, vector<16xi32>
      }
      %scan3A_310 = arith.constant 42 : i32
      %add3A_311 = arith.constant 0 : i32
      %add3A_312 = arith.addi %mul3A_150, %add3A_311 : i32
      %swap3A_313 = arith.index_cast %add3A_312 : i32 to index
      %swap3A_314 = arith.constant 0 : index
      %swap3A_315 = tpu.vector_load %arg10[%swap3A_313, %swap3A_314] {strides = array<i32>} : memref<32x16xf32, #tpu.memory_space<vmem>>, vector<16xf32>,
      tpu.vector_store %arg10[%swap3A_313, %swap3A_314], %scan3A_309#0 {strides = array<i32>} : memref<32x16xf32, #tpu.memory_space<vmem>>, vector<16xf32>,
      %add3A_316 = arith.constant 0 : i32
      %add3A_317 = arith.addi %mul3A_150, %add3A_316 : i32
      %swap3A_318 = arith.index_cast %add3A_317 : i32 to index
      %swap3A_319 = arith.constant 0 : index
      %swap3A_320 = tpu.vector_load %arg9[%swap3A_318, %swap3A_319] {strides = array<i32>} : memref<32x16xi32, #tpu.memory_space<vmem>>, vector<16xi32>,
      tpu.vector_store %arg9[%swap3A_318, %swap3A_319], %scan3A_309#4 {strides = array<i32>} : memref<32x16xi32, #tpu.memory_space<vmem>>, vector<16xi32>,
      %add3A_321 = arith.constant 1 : i32
      %add3A_322 = arith.addi %mul3A_150, %add3A_321 : i32
      %swap3A_323 = arith.index_cast %add3A_322 : i32 to index
      %swap3A_324 = arith.constant 0 : index
      %swap3A_325 = tpu.vector_load %arg10[%swap3A_323, %swap3A_324] {strides = array<i32>} : memref<32x16xf32, #tpu.memory_space<vmem>>, vector<16xf32>,
      tpu.vector_store %arg10[%swap3A_323, %swap3A_324], %scan3A_309#1 {strides = array<i32>} : memref<32x16xf32, #tpu.memory_space<vmem>>, vector<16xf32>,
      %add3A_326 = arith.constant 1 : i32
      %add3A_327 = arith.addi %mul3A_150, %add3A_326 : i32
      %swap3A_328 = arith.index_cast %add3A_327 : i32 to index
      %swap3A_329 = arith.constant 0 : index
      %swap3A_330 = tpu.vector_load %arg9[%swap3A_328, %swap3A_329] {strides = array<i32>} : memref<32x16xi32, #tpu.memory_space<vmem>>, vector<16xi32>,
      tpu.vector_store %arg9[%swap3A_328, %swap3A_329], %scan3A_309#5 {strides = array<i32>} : memref<32x16xi32, #tpu.memory_space<vmem>>, vector<16xi32>,
      %add3A_331 = arith.constant 2 : i32
      %add3A_332 = arith.addi %mul3A_150, %add3A_331 : i32
      %swap3A_333 = arith.index_cast %add3A_332 : i32 to index
      %swap3A_334 = arith.constant 0 : index
      %swap3A_335 = tpu.vector_load %arg10[%swap3A_333, %swap3A_334] {strides = array<i32>} : memref<32x16xf32, #tpu.memory_space<vmem>>, vector<16xf32>,
      tpu.vector_store %arg10[%swap3A_333, %swap3A_334], %scan3A_309#2 {strides = array<i32>} : memref<32x16xf32, #tpu.memory_space<vmem>>, vector<16xf32>,
      %add3A_336 = arith.constant 2 : i32
      %add3A_337 = arith.addi %mul3A_150, %add3A_336 : i32
      %swap3A_338 = arith.index_cast %add3A_337 : i32 to index
      %swap3A_339 = arith.constant 0 : index
      %swap3A_340 = tpu.vector_load %arg9[%swap3A_338, %swap3A_339] {strides = array<i32>} : memref<32x16xi32, #tpu.memory_space<vmem>>, vector<16xi32>,
      tpu.vector_store %arg9[%swap3A_338, %swap3A_339], %scan3A_309#6 {strides = array<i32>} : memref<32x16xi32, #tpu.memory_space<vmem>>, vector<16xi32>,
      %add3A_341 = arith.constant 3 : i32
      %add3A_342 = arith.addi %mul3A_150, %add3A_341 : i32
      %swap3A_343 = arith.index_cast %add3A_342 : i32 to index
      %swap3A_344 = arith.constant 0 : index
      %swap3A_345 = tpu.vector_load %arg10[%swap3A_343, %swap3A_344] {strides = array<i32>} : memref<32x16xf32, #tpu.memory_space<vmem>>, vector<16xf32>,
      tpu.vector_store %arg10[%swap3A_343, %swap3A_344], %scan3A_309#3 {strides = array<i32>} : memref<32x16xf32, #tpu.memory_space<vmem>>, vector<16xf32>,
      %add3A_346 = arith.constant 3 : i32
      %add3A_347 = arith.addi %mul3A_150, %add3A_346 : i32
      %swap3A_348 = arith.index_cast %add3A_347 : i32 to index
      %swap3A_349 = arith.constant 0 : index
      %swap3A_350 = tpu.vector_load %arg9[%swap3A_348, %swap3A_349] {strides = array<i32>} : memref<32x16xi32, #tpu.memory_space<vmem>>, vector<16xi32>,
      tpu.vector_store %arg9[%swap3A_348, %swap3A_349], %scan3A_309#7 {strides = array<i32>} : memref<32x16xi32, #tpu.memory_space<vmem>>, vector<16xi32>,
      %scan3A_351 = arith.constant 0 : i32
      scf.yield %scan3A_351 : i32
    }
    %scan3A_14 = arith.constant 8 : i32
    %scan3A_15 = arith.constant 0 : i32
    %scan3A_16 = arith.constant 0 : i32
    %scan3A_17 = arith.constant 42 : i32
    %scan3A_18 = arith.addi %scan3A_16, %scan3A_17 : i32
    %scan3A_19 = arith.constant 1 : i32
    %scan3A_20 = scf.for %scan3A_147 = %scan3A_16 to %scan3A_18 step %scan3A_19 iter_args(%scan3A_148 = %scan3A_15) -> (i32)  : i32 {
      %mul3A_149 = arith.constant 16 : i32
      %mul3A_150 = arith.muli %scan3A_147, %mul3A_149 : i32
      %get3A = arith.index_cast %mul3A_150 : i32 to index
      %get3A_151 = tpu.vector_load %arg18[%get3A] {strides = array<i32>} : memref<672xf32, #tpu.memory_space<vmem>>, vector<16xf32>,
      %mul3A_152 = arith.constant 16 : i32
      %mul3A_153 = arith.muli %scan3A_147, %mul3A_152 : i32
      %add3A = arith.addi %mul3A_0, %mul3A_153 : i32
      %add3A_154 = vector.broadcast %add3A : i32 to vector<16xi32>
      %add3A_155 = arith.addi %add3A_154, %iota3A : vector<16xi32>
      %lt3A_156 = arith.constant 10647 : i32
      %lt3A_157 = vector.broadcast %lt3A_156 : i32 to vector<16xi32>
      %lt3A_158 = arith.cmpi slt, %add3A_155, %lt3A_157 : vector<16xi32>
      %lt3A_159 = arith.constant 3.000000e-01 : f32
      %lt3A_160 = vector.broadcast %lt3A_159 : f32 to vector<16xf32>
      %lt3A_161 = arith.cmpf olt, %get3A_151, %lt3A_160 : vector<16xf32>
      %ge3A_162 = arith.constant 0.699999988 : f32
      %ge3A_163 = vector.broadcast %ge3A_162 : f32 to vector<16xf32>
      %ge3A_164 = arith.cmpf oge, %get3A_151, %ge3A_163 : vector<16xf32>
      %jit3A_165 = arith.constant 1.000000e+00 : f32
      %jit3A_166 = arith.constant -1.000000e+00 : f32
      %broadcast_in_dim3A_167 = vector.broadcast %jit3A_165 : f32 to vector<16xf32>
      %broadcast_in_dim3A_168 = vector.broadcast %jit3A_166 : f32 to vector<16xf32>
      %select_n3A_169 = arith.select %ge3A_164, %broadcast_in_dim3A_167, %broadcast_in_dim3A_168 : vector<16xi1>, vector<16xf32>
      %jit3A_170 = arith.constant 0.000000e+00 : f32
      %broadcast_in_dim3A_171 = vector.broadcast %jit3A_170 : f32 to vector<16xf32>
      %select_n3A_172 = arith.select %lt3A_161, %broadcast_in_dim3A_171, %select_n3A_169 : vector<16xi1>, vector<16xf32>
      %jit3A_173 = arith.constant -1.000000e+00 : f32
      %broadcast_in_dim3A_174 = vector.broadcast %jit3A_173 : f32 to vector<16xf32>
      %select_n3A_175 = arith.select %lt3A_158, %select_n3A_172, %broadcast_in_dim3A_174 : vector<16xi1>, vector<16xf32>
      %swap3A_176 = arith.index_cast %mul3A_150 : i32 to index
      %swap3A_177 = tpu.vector_load %arg13[%swap3A_176] {strides = array<i32>} : memref<672xf32, #tpu.memory_space<vmem>>, vector<16xf32>,
      tpu.vector_store %arg13[%swap3A_176], %select_n3A_175 {strides = array<i32>} : memref<672xf32, #tpu.memory_space<vmem>>, vector<16xf32>,
      %scan3A_178 = arith.constant 0 : i32
      scf.yield %scan3A_178 : i32
    }
    %scan3A_21 = arith.constant 42 : i32
    %broadcast_in_dim3A_22 = arith.constant 0.000000e+00 : f32
    %broadcast_in_dim3A_23 = vector.broadcast %broadcast_in_dim3A_22 : f32 to vector<16xf32>
    %scan3A_24 = arith.constant 0 : i32
    %scan3A_25 = arith.constant 32 : i32
    %scan3A_26 = arith.addi %scan3A_24, %scan3A_25 : i32
    %scan3A_27 = arith.constant 1 : i32
    %scan3A_28:4 = scf.for %scan3A_147 = %scan3A_24 to %scan3A_26 step %scan3A_27 iter_args(%scan3A_148 = %broadcast_in_dim3A_23, %scan3A_149 = %broadcast_in_dim3A_23, %scan3A_150 = %broadcast_in_dim3A_23, %scan3A_151 = %broadcast_in_dim3A_23) -> (vector<16xf32>, vector<16xf32>, vector<16xf32>, vector<16xf32>)  : i32 {
      %get3A = arith.index_cast %scan3A_147 : i32 to index
      %get3A_152 = arith.constant 0 : index
      %get3A_153 = tpu.vector_load %arg10[%get3A, %get3A_152] {strides = array<i32>} : memref<32x16xf32, #tpu.memory_space<vmem>>, vector<16xf32>,
      %get3A_154 = arith.index_cast %scan3A_147 : i32 to index
      %get3A_155 = arith.constant 0 : index
      %get3A_156 = tpu.vector_load %arg9[%get3A_154, %get3A_155] {strides = array<i32>} : memref<32x16xi32, #tpu.memory_space<vmem>>, vector<16xi32>,
      %reduce_max3A = arith.constant true
      %reduce_max3A_157 = vector.broadcast %reduce_max3A : i1 to vector<16xi1>
      %reduce_max3A_158 = tpu.scan <max>, %get3A_153 masked %reduce_max3A_157 : vector<16xf32>, vector<16xi1> -> vector<16xf32>
      %reduce_max3A_159 = vector.extract %reduce_max3A_158[15] : f32 from vector<16xf32>
      %eq3A_160 = vector.broadcast %reduce_max3A_159 : f32 to vector<16xf32>
      %eq3A_161 = arith.cmpf oeq, %get3A_153, %eq3A_160 : vector<16xf32>
      %jit3A_162 = arith.constant 1073741824 : i32
      %broadcast_in_dim3A_163 = vector.broadcast %jit3A_162 : i32 to vector<16xi32>
      %select_n3A_164 = arith.select %eq3A_161, %get3A_156, %broadcast_in_dim3A_163 : vector<16xi1>, vector<16xi32>
      %reduce_min3A = arith.constant true
      %reduce_min3A_165 = vector.broadcast %reduce_min3A : i1 to vector<16xi1>
      %reduce_min3A_166 = arith.constant -2147483648 : i32
      %reduce_min3A_167 = vector.broadcast %reduce_min3A_166 : i32 to vector<16xi32>
      %reduce_min3A_168 = arith.xori %select_n3A_164, %reduce_min3A_167 : vector<16xi32>
      %reduce_min3A_169 = tpu.scan <min>, %reduce_min3A_168 masked %reduce_min3A_165 : vector<16xi32>, vector<16xi1> -> vector<16xi32>
      %reduce_min3A_170 = arith.xori %reduce_min3A_169, %reduce_min3A_167 : vector<16xi32>
      %reduce_min3A_171 = vector.extract %reduce_min3A_170[15] : i32 from vector<16xi32>
      %convert_element_type3A_172 = arith.sitofp %reduce_min3A_171 : i32 to f32
      %eq3A_173 = vector.broadcast %scan3A_147 : i32 to vector<16xi32>
      %eq3A_174 = arith.cmpi eq, %iota3A, %eq3A_173 : vector<16xi32>
      %jit3A_175 = arith.constant 0.000000e+00 : f32
      %broadcast_in_dim3A_176 = vector.broadcast %reduce_max3A_159 : f32 to vector<16xf32>
      %broadcast_in_dim3A_177 = vector.broadcast %jit3A_175 : f32 to vector<16xf32>
      %select_n3A_178 = arith.select %eq3A_174, %broadcast_in_dim3A_176, %broadcast_in_dim3A_177 : vector<16xi1>, vector<16xf32>
      %add3A = arith.addf %scan3A_148, %select_n3A_178 : vector<16xf32>
      %sub3A_179 = arith.constant 16 : i32
      %sub3A_180 = arith.subi %scan3A_147, %sub3A_179 : i32
      %eq3A_181 = vector.broadcast %sub3A_180 : i32 to vector<16xi32>
      %eq3A_182 = arith.cmpi eq, %iota3A, %eq3A_181 : vector<16xi32>
      %jit3A_183 = arith.constant 0.000000e+00 : f32
      %broadcast_in_dim3A_184 = vector.broadcast %reduce_max3A_159 : f32 to vector<16xf32>
      %broadcast_in_dim3A_185 = vector.broadcast %jit3A_183 : f32 to vector<16xf32>
      %select_n3A_186 = arith.select %eq3A_182, %broadcast_in_dim3A_184, %broadcast_in_dim3A_185 : vector<16xi1>, vector<16xf32>
      %add3A_187 = arith.addf %scan3A_149, %select_n3A_186 : vector<16xf32>
      %eq3A_188 = vector.broadcast %scan3A_147 : i32 to vector<16xi32>
      %eq3A_189 = arith.cmpi eq, %iota3A, %eq3A_188 : vector<16xi32>
      %jit3A_190 = arith.constant 0.000000e+00 : f32
      %broadcast_in_dim3A_191 = vector.broadcast %convert_element_type3A_172 : f32 to vector<16xf32>
      %broadcast_in_dim3A_192 = vector.broadcast %jit3A_190 : f32 to vector<16xf32>
      %select_n3A_193 = arith.select %eq3A_189, %broadcast_in_dim3A_191, %broadcast_in_dim3A_192 : vector<16xi1>, vector<16xf32>
      %add3A_194 = arith.addf %scan3A_150, %select_n3A_193 : vector<16xf32>
      %sub3A_195 = arith.constant 16 : i32
      %sub3A_196 = arith.subi %scan3A_147, %sub3A_195 : i32
      %eq3A_197 = vector.broadcast %sub3A_196 : i32 to vector<16xi32>
      %eq3A_198 = arith.cmpi eq, %iota3A, %eq3A_197 : vector<16xi32>
      %jit3A_199 = arith.constant 0.000000e+00 : f32
      %broadcast_in_dim3A_200 = vector.broadcast %convert_element_type3A_172 : f32 to vector<16xf32>
      %broadcast_in_dim3A_201 = vector.broadcast %jit3A_199 : f32 to vector<16xf32>
      %select_n3A_202 = arith.select %eq3A_198, %broadcast_in_dim3A_200, %broadcast_in_dim3A_201 : vector<16xi1>, vector<16xf32>
      %add3A_203 = arith.addf %scan3A_151, %select_n3A_202 : vector<16xf32>
      scf.yield %add3A, %add3A_187, %add3A_194, %add3A_203 : vector<16xf32>, vector<16xf32>, vector<16xf32>, vector<16xf32>
    }
    %scan3A_29 = arith.constant 32 : i32
    %swap3A = arith.constant 0 : index
    %swap3A_30 = tpu.vector_load %arg15[%swap3A] {strides = array<i32>} : memref<80xf32, #tpu.memory_space<vmem>>, vector<16xf32>,
    tpu.vector_store %arg15[%swap3A], %scan3A_28#0 {strides = array<i32>} : memref<80xf32, #tpu.memory_space<vmem>>, vector<16xf32>,
    %swap3A_31 = arith.constant 16 : index
    %swap3A_32 = tpu.vector_load %arg15[%swap3A_31] {strides = array<i32>} : memref<80xf32, #tpu.memory_space<vmem>>, vector<16xf32>,
    tpu.vector_store %arg15[%swap3A_31], %scan3A_28#1 {strides = array<i32>} : memref<80xf32, #tpu.memory_space<vmem>>, vector<16xf32>,
    %swap3A_33 = arith.constant 32 : index
    %swap3A_34 = tpu.vector_load %arg15[%swap3A_33] {strides = array<i32>} : memref<80xf32, #tpu.memory_space<vmem>>, vector<16xf32>,
    tpu.vector_store %arg15[%swap3A_33], %scan3A_28#2 {strides = array<i32>} : memref<80xf32, #tpu.memory_space<vmem>>, vector<16xf32>,
    %swap3A_35 = arith.constant 48 : index
    %swap3A_36 = tpu.vector_load %arg15[%swap3A_35] {strides = array<i32>} : memref<80xf32, #tpu.memory_space<vmem>>, vector<16xf32>,
    tpu.vector_store %arg15[%swap3A_35], %scan3A_28#3 {strides = array<i32>} : memref<80xf32, #tpu.memory_space<vmem>>, vector<16xf32>,
    "tpu.region"() ({
      %run_scoped3A = tpu.sem_alloc : memref<!tpu.dma_semaphore, #tpu.memory_space<semaphore_mem>>
      %dma_start3A = arith.constant 0 : i32
      %dma_start3A_147 = tpu.memref_slice %arg20[%arg1, %dma_start3A] : memref<16x80xf32, #tpu.memory_space<vmem_shared>> -> memref<1x80xf32, #tpu.memory_space<vmem_shared>>
      %dma_start3A_148 = tpu.memref_squeeze %dma_start3A_147 : memref<1x80xf32, #tpu.memory_space<vmem_shared>> -> memref<80xf32, #tpu.memory_space<vmem_shared>>
      %dma_start3A_149 = arith.constant 0 : i32
      %dma_start3A_150 = tpu.memref_slice %arg20[%arg1, %dma_start3A_149] : memref<16x80xf32, #tpu.memory_space<vmem_shared>> -> memref<1x80xf32, #tpu.memory_space<vmem_shared>>
      %dma_start3A_151 = tpu.memref_squeeze %dma_start3A_150 : memref<1x80xf32, #tpu.memory_space<vmem_shared>> -> memref<80xf32, #tpu.memory_space<vmem_shared>>
      tpu.enqueue_dma source(%arg15 : memref<80xf32, #tpu.memory_space<vmem>>) target(%dma_start3A_151 : memref<80xf32, #tpu.memory_space<vmem_shared>>) target_semaphore(%run_scoped3A : memref<!tpu.dma_semaphore, #tpu.memory_space<semaphore_mem>>)
      %dma_wait3A = arith.constant 0 : i32
      %dma_wait3A_152 = tpu.memref_slice %arg20[%arg1, %dma_wait3A] : memref<16x80xf32, #tpu.memory_space<vmem_shared>> -> memref<1x80xf32, #tpu.memory_space<vmem_shared>>
      %dma_wait3A_153 = tpu.memref_squeeze %dma_wait3A_152 : memref<1x80xf32, #tpu.memory_space<vmem_shared>> -> memref<80xf32, #tpu.memory_space<vmem_shared>>
      %dma_wait3A_154 = arith.constant 0 : i32
      %dma_wait3A_155 = tpu.memref_slice %arg20[%arg1, %dma_wait3A_154] : memref<16x80xf32, #tpu.memory_space<vmem_shared>> -> memref<1x80xf32, #tpu.memory_space<vmem_shared>>
      %dma_wait3A_156 = tpu.memref_squeeze %dma_wait3A_155 : memref<1x80xf32, #tpu.memory_space<vmem_shared>> -> memref<80xf32, #tpu.memory_space<vmem_shared>>
      tpu.wait_dma2 semaphore(%run_scoped3A : memref<!tpu.dma_semaphore, #tpu.memory_space<semaphore_mem>>) src(%arg15 : memref<80xf32, #tpu.memory_space<vmem>>) dst(%dma_wait3A_156 : memref<80xf32, #tpu.memory_space<vmem_shared>>)
      tpu.yield
    }) : () -> ()
    %barrier3A = arith.constant 0 : index
    tpu.barrier barrier_id(%barrier3A)
    "tpu.region"() ({
      %run_scoped3A = tpu.sem_alloc : memref<!tpu.dma_semaphore, #tpu.memory_space<semaphore_mem>>
      tpu.enqueue_dma source(%arg20 : memref<16x80xf32, #tpu.memory_space<vmem_shared>>) target(%arg7 : memref<16x80xf32, #tpu.memory_space<vmem>>) target_semaphore(%run_scoped3A : memref<!tpu.dma_semaphore, #tpu.memory_space<semaphore_mem>>)
      tpu.wait_dma2 semaphore(%run_scoped3A : memref<!tpu.dma_semaphore, #tpu.memory_space<semaphore_mem>>) src(%arg20 : memref<16x80xf32, #tpu.memory_space<vmem_shared>>) dst(%arg7 : memref<16x80xf32, #tpu.memory_space<vmem>>)
      tpu.yield
    }) : () -> ()
    %broadcast_in_dim3A_37 = arith.constant -2.000000e+00 : f32
    %broadcast_in_dim3A_38 = vector.broadcast %broadcast_in_dim3A_37 : f32 to vector<16xf32>
    %scan3A_39 = arith.constant 0 : i32
    %scan3A_40 = arith.constant 16 : i32
    %scan3A_41 = arith.addi %scan3A_39, %scan3A_40 : i32
    %scan3A_42 = arith.constant 1 : i32
    %scan3A_43:4 = scf.for %scan3A_147 = %scan3A_39 to %scan3A_41 step %scan3A_42 iter_args(%scan3A_148 = %broadcast_in_dim3A_38, %scan3A_149 = %broadcast_in_dim3A_38, %scan3A_150 = %broadcast_in_dim3A_23, %scan3A_151 = %broadcast_in_dim3A_23) -> (vector<16xf32>, vector<16xf32>, vector<16xf32>, vector<16xf32>)  : i32 {
      %get3A = arith.index_cast %scan3A_147 : i32 to index
      %get3A_152 = arith.constant 0 : index
      %get3A_153 = tpu.vector_load %arg7[%get3A, %get3A_152] {strides = array<i32>} : memref<16x80xf32, #tpu.memory_space<vmem>>, vector<16xf32>,
      %get3A_154 = arith.index_cast %scan3A_147 : i32 to index
      %get3A_155 = arith.constant 16 : index
      %get3A_156 = tpu.vector_load %arg7[%get3A_154, %get3A_155] {strides = array<i32>} : memref<16x80xf32, #tpu.memory_space<vmem>>, vector<16xf32>,
      %get3A_157 = arith.index_cast %scan3A_147 : i32 to index
      %get3A_158 = arith.constant 32 : index
      %get3A_159 = tpu.vector_load %arg7[%get3A_157, %get3A_158] {strides = array<i32>} : memref<16x80xf32, #tpu.memory_space<vmem>>, vector<16xf32>,
      %get3A_160 = arith.index_cast %scan3A_147 : i32 to index
      %get3A_161 = arith.constant 48 : index
      %get3A_162 = tpu.vector_load %arg7[%get3A_160, %get3A_161] {strides = array<i32>} : memref<16x80xf32, #tpu.memory_space<vmem>>, vector<16xf32>,
      %gt3A = arith.cmpf ogt, %get3A_153, %scan3A_148 : vector<16xf32>
      %gt3A_163 = arith.cmpf ogt, %get3A_156, %scan3A_149 : vector<16xf32>
      %select_n3A_164 = arith.select %gt3A, %get3A_153, %scan3A_148 : vector<16xi1>, vector<16xf32>
      %select_n3A_165 = arith.select %gt3A_163, %get3A_156, %scan3A_149 : vector<16xi1>, vector<16xf32>
      %select_n3A_166 = arith.select %gt3A, %get3A_159, %scan3A_150 : vector<16xi1>, vector<16xf32>
      %select_n3A_167 = arith.select %gt3A_163, %get3A_162, %scan3A_151 : vector<16xi1>, vector<16xf32>
      scf.yield %select_n3A_164, %select_n3A_165, %select_n3A_166, %select_n3A_167 : vector<16xf32>, vector<16xf32>, vector<16xf32>, vector<16xf32>
    }
    %scan3A_44 = arith.constant 16 : i32
    %convert_element_type3A = arith.fptosi %scan3A_43#2 : vector<16xf32> to vector<16xi32>
    %sub3A = vector.broadcast %mul3A_0 : i32 to vector<16xi32>
    %sub3A_45 = arith.subi %convert_element_type3A, %sub3A : vector<16xi32>
    %ge3A = arith.constant 0 : i32
    %ge3A_46 = vector.broadcast %ge3A : i32 to vector<16xi32>
    %ge3A_47 = arith.cmpi sge, %sub3A_45, %ge3A_46 : vector<16xi32>
    %lt3A = arith.constant 672 : i32
    %lt3A_48 = vector.broadcast %lt3A : i32 to vector<16xi32>
    %lt3A_49 = arith.cmpi slt, %sub3A_45, %lt3A_48 : vector<16xi32>
    %and3A = arith.andi %ge3A_47, %lt3A_49 : vector<16xi1>
    %jit3A = arith.constant 0 : i32
    %broadcast_in_dim3A_50 = vector.broadcast %jit3A : i32 to vector<16xi32>
    %select_n3A = arith.select %and3A, %sub3A_45, %broadcast_in_dim3A_50 : vector<16xi1>, vector<16xi32>
    %gather3A = tpu.vector_load_idx %arg18[%select_n3A] masked %and3A : memref<672xf32, #tpu.memory_space<vmem>>[vector<16xi32>], vector<16xf32>, vector<16xi1>
    %ge3A_51 = arith.constant 3.000000e-01 : f32
    %ge3A_52 = vector.broadcast %ge3A_51 : f32 to vector<16xf32>
    %ge3A_53 = arith.cmpf oge, %gather3A, %ge3A_52 : vector<16xf32>
    %and3A_54 = arith.andi %and3A, %ge3A_53 : vector<16xi1>
    tpu.vector_store_idx %arg13[%select_n3A], %broadcast_in_dim3A_1 masked %and3A_54 : memref<672xf32, #tpu.memory_space<vmem>>[vector<16xi32>], vector<16xf32>, vector<16xi1>
    %convert_element_type3A_55 = arith.fptosi %scan3A_43#3 : vector<16xf32> to vector<16xi32>
    %sub3A_56 = vector.broadcast %mul3A_0 : i32 to vector<16xi32>
    %sub3A_57 = arith.subi %convert_element_type3A_55, %sub3A_56 : vector<16xi32>
    %ge3A_58 = arith.constant 0 : i32
    %ge3A_59 = vector.broadcast %ge3A_58 : i32 to vector<16xi32>
    %ge3A_60 = arith.cmpi sge, %sub3A_57, %ge3A_59 : vector<16xi32>
    %lt3A_61 = arith.constant 672 : i32
    %lt3A_62 = vector.broadcast %lt3A_61 : i32 to vector<16xi32>
    %lt3A_63 = arith.cmpi slt, %sub3A_57, %lt3A_62 : vector<16xi32>
    %and3A_64 = arith.andi %ge3A_60, %lt3A_63 : vector<16xi1>
    %jit3A_65 = arith.constant 0 : i32
    %broadcast_in_dim3A_66 = vector.broadcast %jit3A_65 : i32 to vector<16xi32>
    %select_n3A_67 = arith.select %and3A_64, %sub3A_57, %broadcast_in_dim3A_66 : vector<16xi1>, vector<16xi32>
    %gather3A_68 = tpu.vector_load_idx %arg18[%select_n3A_67] masked %and3A_64 : memref<672xf32, #tpu.memory_space<vmem>>[vector<16xi32>], vector<16xf32>, vector<16xi1>
    %ge3A_69 = arith.constant 3.000000e-01 : f32
    %ge3A_70 = vector.broadcast %ge3A_69 : f32 to vector<16xf32>
    %ge3A_71 = arith.cmpf oge, %gather3A_68, %ge3A_70 : vector<16xf32>
    %and3A_72 = arith.andi %and3A_64, %ge3A_71 : vector<16xi1>
    tpu.vector_store_idx %arg13[%select_n3A_67], %broadcast_in_dim3A_1 masked %and3A_72 : memref<672xf32, #tpu.memory_space<vmem>>[vector<16xi32>], vector<16xf32>, vector<16xi1>
    %broadcast_in_dim3A_73 = arith.constant 0 : i32
    %broadcast_in_dim3A_74 = vector.broadcast %broadcast_in_dim3A_73 : i32 to vector<16xi32>
    %scan3A_75 = arith.constant 0 : i32
    %scan3A_76 = arith.constant 42 : i32
    %scan3A_77 = arith.addi %scan3A_75, %scan3A_76 : i32
    %scan3A_78 = arith.constant 1 : i32
    %scan3A_79:2 = scf.for %scan3A_147 = %scan3A_75 to %scan3A_77 step %scan3A_78 iter_args(%scan3A_148 = %broadcast_in_dim3A_74, %scan3A_149 = %broadcast_in_dim3A_74) -> (vector<16xi32>, vector<16xi32>)  : i32 {
      %mul3A_150 = arith.constant 16 : i32
      %mul3A_151 = arith.muli %scan3A_147, %mul3A_150 : i32
      %get3A = arith.index_cast %mul3A_151 : i32 to index
      %get3A_152 = tpu.vector_load %arg13[%get3A] {strides = array<i32>} : memref<672xf32, #tpu.memory_space<vmem>>, vector<16xf32>,
      %eq3A_153 = arith.constant 1.000000e+00 : f32
      %eq3A_154 = vector.broadcast %eq3A_153 : f32 to vector<16xf32>
      %eq3A_155 = arith.cmpf oeq, %get3A_152, %eq3A_154 : vector<16xf32>
      %jit3A_156 = arith.constant 1 : i32
      %jit3A_157 = arith.constant 0 : i32
      %broadcast_in_dim3A_158 = vector.broadcast %jit3A_156 : i32 to vector<16xi32>
      %broadcast_in_dim3A_159 = vector.broadcast %jit3A_157 : i32 to vector<16xi32>
      %select_n3A_160 = arith.select %eq3A_155, %broadcast_in_dim3A_158, %broadcast_in_dim3A_159 : vector<16xi1>, vector<16xi32>
      %add3A = arith.addi %scan3A_148, %select_n3A_160 : vector<16xi32>
      %eq3A_161 = arith.constant 0.000000e+00 : f32
      %eq3A_162 = vector.broadcast %eq3A_161 : f32 to vector<16xf32>
      %eq3A_163 = arith.cmpf oeq, %get3A_152, %eq3A_162 : vector<16xf32>
      %jit3A_164 = arith.constant 1 : i32
      %jit3A_165 = arith.constant 0 : i32
      %broadcast_in_dim3A_166 = vector.broadcast %jit3A_164 : i32 to vector<16xi32>
      %broadcast_in_dim3A_167 = vector.broadcast %jit3A_165 : i32 to vector<16xi32>
      %select_n3A_168 = arith.select %eq3A_163, %broadcast_in_dim3A_166, %broadcast_in_dim3A_167 : vector<16xi1>, vector<16xi32>
      %add3A_169 = arith.addi %scan3A_149, %select_n3A_168 : vector<16xi32>
      scf.yield %add3A, %add3A_169 : vector<16xi32>, vector<16xi32>
    }
    %scan3A_80 = arith.constant 42 : i32
    %reduce_sum3A = arith.constant true
    %reduce_sum3A_81 = vector.broadcast %reduce_sum3A : i1 to vector<16xi1>
    %reduce_sum3A_82 = tpu.scan <sum>, %scan3A_79#0 masked %reduce_sum3A_81 : vector<16xi32>, vector<16xi1> -> vector<16xi32>
    %reduce_sum3A_83 = vector.extract %reduce_sum3A_82[15] : i32 from vector<16xi32>
    %shift_left3A = arith.constant 16 : i32
    %shift_left3A_84 = arith.shli %reduce_sum3A_83, %shift_left3A : i32
    %reduce_sum3A_85 = arith.constant true
    %reduce_sum3A_86 = vector.broadcast %reduce_sum3A_85 : i1 to vector<16xi1>
    %reduce_sum3A_87 = tpu.scan <sum>, %scan3A_79#1 masked %reduce_sum3A_86 : vector<16xi32>, vector<16xi1> -> vector<16xi32>
    %reduce_sum3A_88 = vector.extract %reduce_sum3A_87[15] : i32 from vector<16xi32>
    %or3A = arith.ori %shift_left3A_84, %reduce_sum3A_88 : i32
    %eq3A = arith.constant 0 : i32
    %eq3A_89 = vector.broadcast %eq3A : i32 to vector<16xi32>
    %eq3A_90 = arith.cmpi eq, %iota3A, %eq3A_89 : vector<16xi32>
    %jit3A_91 = arith.constant 0 : i32
    %broadcast_in_dim3A_92 = vector.broadcast %or3A : i32 to vector<16xi32>
    %broadcast_in_dim3A_93 = vector.broadcast %jit3A_91 : i32 to vector<16xi32>
    %select_n3A_94 = arith.select %eq3A_90, %broadcast_in_dim3A_92, %broadcast_in_dim3A_93 : vector<16xi1>, vector<16xi32>
    %swap3A_95 = arith.constant 0 : index
    %swap3A_96 = tpu.vector_load %arg14[%swap3A_95] {strides = array<i32>} : memref<16xi32, #tpu.memory_space<vmem>>, vector<16xi32>,
    tpu.vector_store %arg14[%swap3A_95], %select_n3A_94 {strides = array<i32>} : memref<16xi32, #tpu.memory_space<vmem>>, vector<16xi32>,
    "tpu.region"() ({
      %run_scoped3A = tpu.sem_alloc : memref<!tpu.dma_semaphore, #tpu.memory_space<semaphore_mem>>
      %dma_start3A = arith.constant 0 : i32
      %dma_start3A_147 = tpu.memref_slice %arg21[%arg1, %dma_start3A] : memref<16x16xi32, #tpu.memory_space<vmem_shared>> -> memref<1x16xi32, #tpu.memory_space<vmem_shared>>
      %dma_start3A_148 = tpu.memref_squeeze %dma_start3A_147 : memref<1x16xi32, #tpu.memory_space<vmem_shared>> -> memref<16xi32, #tpu.memory_space<vmem_shared>>
      %dma_start3A_149 = arith.constant 0 : i32
      %dma_start3A_150 = tpu.memref_slice %arg21[%arg1, %dma_start3A_149] : memref<16x16xi32, #tpu.memory_space<vmem_shared>> -> memref<1x16xi32, #tpu.memory_space<vmem_shared>>
      %dma_start3A_151 = tpu.memref_squeeze %dma_start3A_150 : memref<1x16xi32, #tpu.memory_space<vmem_shared>> -> memref<16xi32, #tpu.memory_space<vmem_shared>>
      tpu.enqueue_dma source(%arg14 : memref<16xi32, #tpu.memory_space<vmem>>) target(%dma_start3A_151 : memref<16xi32, #tpu.memory_space<vmem_shared>>) target_semaphore(%run_scoped3A : memref<!tpu.dma_semaphore, #tpu.memory_space<semaphore_mem>>)
      %dma_wait3A = arith.constant 0 : i32
      %dma_wait3A_152 = tpu.memref_slice %arg21[%arg1, %dma_wait3A] : memref<16x16xi32, #tpu.memory_space<vmem_shared>> -> memref<1x16xi32, #tpu.memory_space<vmem_shared>>
      %dma_wait3A_153 = tpu.memref_squeeze %dma_wait3A_152 : memref<1x16xi32, #tpu.memory_space<vmem_shared>> -> memref<16xi32, #tpu.memory_space<vmem_shared>>
      %dma_wait3A_154 = arith.constant 0 : i32
      %dma_wait3A_155 = tpu.memref_slice %arg21[%arg1, %dma_wait3A_154] : memref<16x16xi32, #tpu.memory_space<vmem_shared>> -> memref<1x16xi32, #tpu.memory_space<vmem_shared>>
      %dma_wait3A_156 = tpu.memref_squeeze %dma_wait3A_155 : memref<1x16xi32, #tpu.memory_space<vmem_shared>> -> memref<16xi32, #tpu.memory_space<vmem_shared>>
      tpu.wait_dma2 semaphore(%run_scoped3A : memref<!tpu.dma_semaphore, #tpu.memory_space<semaphore_mem>>) src(%arg14 : memref<16xi32, #tpu.memory_space<vmem>>) dst(%dma_wait3A_156 : memref<16xi32, #tpu.memory_space<vmem_shared>>)
      tpu.yield
    }) : () -> ()
    %barrier3A_97 = arith.constant 0 : index
    tpu.barrier barrier_id(%barrier3A_97)
    "tpu.region"() ({
      %run_scoped3A = tpu.sem_alloc : memref<!tpu.dma_semaphore, #tpu.memory_space<semaphore_mem>>
      tpu.enqueue_dma source(%arg21 : memref<16x16xi32, #tpu.memory_space<vmem_shared>>) target(%arg6 : memref<16x16xi32, #tpu.memory_space<vmem>>) target_semaphore(%run_scoped3A : memref<!tpu.dma_semaphore, #tpu.memory_space<semaphore_mem>>)
      tpu.wait_dma2 semaphore(%run_scoped3A : memref<!tpu.dma_semaphore, #tpu.memory_space<semaphore_mem>>) src(%arg21 : memref<16x16xi32, #tpu.memory_space<vmem_shared>>) dst(%arg6 : memref<16x16xi32, #tpu.memory_space<vmem>>)
      tpu.yield
    }) : () -> ()
    %scan3A_98 = arith.constant 0 : i32
    %scan3A_99 = arith.constant 16 : i32
    %scan3A_100 = arith.addi %scan3A_98, %scan3A_99 : i32
    %scan3A_101 = arith.constant 1 : i32
    %scan3A_102:2 = scf.for %scan3A_147 = %scan3A_98 to %scan3A_100 step %scan3A_101 iter_args(%scan3A_148 = %broadcast_in_dim3A_74, %scan3A_149 = %broadcast_in_dim3A_74) -> (vector<16xi32>, vector<16xi32>)  : i32 {
      %get3A = arith.index_cast %scan3A_147 : i32 to index
      %get3A_150 = arith.constant 0 : index
      %get3A_151 = tpu.vector_load %arg6[%get3A, %get3A_150] {strides = array<i32>} : memref<16x16xi32, #tpu.memory_space<vmem>>, vector<16xi32>,
      %add3A = arith.addi %scan3A_148, %get3A_151 : vector<16xi32>
      %lt3A_152 = arith.cmpi slt, %scan3A_147, %arg1 : i32
      %jit3A_153 = arith.constant 1 : i32
      %jit3A_154 = arith.constant 0 : i32
      %select_n3A_155 = arith.select %lt3A_152, %jit3A_153, %jit3A_154 : i32
      %mul3A_156 = vector.broadcast %select_n3A_155 : i32 to vector<16xi32>
      %mul3A_157 = arith.muli %get3A_151, %mul3A_156 : vector<16xi32>
      %add3A_158 = arith.addi %scan3A_149, %mul3A_157 : vector<16xi32>
      scf.yield %add3A, %add3A_158 : vector<16xi32>, vector<16xi32>
    }
    %scan3A_103 = arith.constant 16 : i32
    %eq3A_104 = arith.constant 0 : i32
    %eq3A_105 = vector.broadcast %eq3A_104 : i32 to vector<16xi32>
    %eq3A_106 = arith.cmpi eq, %iota3A, %eq3A_105 : vector<16xi32>
    %jit3A_107 = arith.constant 0 : i32
    %broadcast_in_dim3A_108 = vector.broadcast %jit3A_107 : i32 to vector<16xi32>
    %select_n3A_109 = arith.select %eq3A_106, %scan3A_102#0, %broadcast_in_dim3A_108 : vector<16xi1>, vector<16xi32>
    %reduce_sum3A_110 = arith.constant true
    %reduce_sum3A_111 = vector.broadcast %reduce_sum3A_110 : i1 to vector<16xi1>
    %reduce_sum3A_112 = tpu.scan <sum>, %select_n3A_109 masked %reduce_sum3A_111 : vector<16xi32>, vector<16xi1> -> vector<16xi32>
    %reduce_sum3A_113 = vector.extract %reduce_sum3A_112[15] : i32 from vector<16xi32>
    %jit3A_114 = arith.constant 0 : i32
    %broadcast_in_dim3A_115 = vector.broadcast %jit3A_114 : i32 to vector<16xi32>
    %select_n3A_116 = arith.select %eq3A_106, %scan3A_102#1, %broadcast_in_dim3A_115 : vector<16xi1>, vector<16xi32>
    %reduce_sum3A_117 = arith.constant true
    %reduce_sum3A_118 = vector.broadcast %reduce_sum3A_117 : i1 to vector<16xi1>
    %reduce_sum3A_119 = tpu.scan <sum>, %select_n3A_116 masked %reduce_sum3A_118 : vector<16xi32>, vector<16xi1> -> vector<16xi32>
    %reduce_sum3A_120 = vector.extract %reduce_sum3A_119[15] : i32 from vector<16xi32>
    %shift_right_arithmetic3A = arith.constant 16 : i32
    %shift_right_arithmetic3A_121 = arith.shrsi %reduce_sum3A_113, %shift_right_arithmetic3A : i32
    %convert_element_type3A_122 = arith.sitofp %shift_right_arithmetic3A_121 : i32 to f32
    %and3A_123 = arith.constant 65535 : i32
    %and3A_124 = arith.andi %reduce_sum3A_113, %and3A_123 : i32
    %convert_element_type3A_125 = arith.sitofp %and3A_124 : i32 to f32
    %shift_right_arithmetic3A_126 = arith.constant 16 : i32
    %shift_right_arithmetic3A_127 = arith.shrsi %reduce_sum3A_120, %shift_right_arithmetic3A_126 : i32
    %convert_element_type3A_128 = arith.sitofp %shift_right_arithmetic3A_127 : i32 to f32
    %and3A_129 = arith.constant 65535 : i32
    %and3A_130 = arith.andi %reduce_sum3A_120, %and3A_129 : i32
    %convert_element_type3A_131 = arith.sitofp %and3A_130 : i32 to f32
    %sub3A_132 = arith.constant 1.280000e+02 : f32
    %sub3A_133 = arith.subf %convert_element_type3A_122, %sub3A_132 : f32
    %max3A = arith.constant 0.000000e+00 : f32
    %max3A_134 = arith.maximumf %max3A, %sub3A_133 : f32
    %sub3A_135 = arith.subf %convert_element_type3A_122, %max3A_134 : f32
    %sub3A_136 = arith.constant 2.560000e+02 : f32
    %sub3A_137 = arith.subf %sub3A_136, %sub3A_135 : f32
    %sub3A_138 = arith.subf %convert_element_type3A_125, %sub3A_137 : f32
    %scan3A_139 = arith.constant 0 : i32
    %scan3A_140 = arith.constant 42 : i32
    %scan3A_141 = arith.addi %scan3A_139, %scan3A_140 : i32
    %scan3A_142 = arith.constant 1 : i32
    %scan3A_143:2 = scf.for %scan3A_147 = %scan3A_139 to %scan3A_141 step %scan3A_142 iter_args(%scan3A_148 = %convert_element_type3A_128, %scan3A_149 = %convert_element_type3A_131) -> (f32, f32)  : i32 {
      %mul3A_150 = arith.constant 16 : i32
      %mul3A_151 = arith.muli %scan3A_147, %mul3A_150 : i32
      %get3A = arith.index_cast %mul3A_151 : i32 to index
      %get3A_152 = tpu.vector_load %arg13[%get3A] {strides = array<i32>} : memref<672xf32, #tpu.memory_space<vmem>>, vector<16xf32>,
      %eq3A_153 = arith.constant 1.000000e+00 : f32
      %eq3A_154 = vector.broadcast %eq3A_153 : f32 to vector<16xf32>
      %eq3A_155 = arith.cmpf oeq, %get3A_152, %eq3A_154 : vector<16xf32>
      %jit3A_156 = arith.constant 1.000000e+00 : f32
      %jit3A_157 = arith.constant 0.000000e+00 : f32
      %broadcast_in_dim3A_158 = vector.broadcast %jit3A_156 : f32 to vector<16xf32>
      %broadcast_in_dim3A_159 = vector.broadcast %jit3A_157 : f32 to vector<16xf32>
      %select_n3A_160 = arith.select %eq3A_155, %broadcast_in_dim3A_158, %broadcast_in_dim3A_159 : vector<16xi1>, vector<16xf32>
      %eq3A_161 = arith.constant 0.000000e+00 : f32
      %eq3A_162 = vector.broadcast %eq3A_161 : f32 to vector<16xf32>
      %eq3A_163 = arith.cmpf oeq, %get3A_152, %eq3A_162 : vector<16xf32>
      %jit3A_164 = arith.constant 1.000000e+00 : f32
      %jit3A_165 = arith.constant 0.000000e+00 : f32
      %broadcast_in_dim3A_166 = vector.broadcast %jit3A_164 : f32 to vector<16xf32>
      %broadcast_in_dim3A_167 = vector.broadcast %jit3A_165 : f32 to vector<16xf32>
      %select_n3A_168 = arith.select %eq3A_163, %broadcast_in_dim3A_166, %broadcast_in_dim3A_167 : vector<16xi1>, vector<16xf32>
      %broadcast_in_dim3A_169 = arith.constant true
      %broadcast_in_dim3A_170 = vector.broadcast %broadcast_in_dim3A_169 : i1 to vector<16xi1>
      %masked_cumsum3A = tpu.scan <sum>, %select_n3A_160 masked %broadcast_in_dim3A_170 : vector<16xf32>, vector<16xi1> -> vector<16xf32>
      %sub3A_171 = arith.subf %masked_cumsum3A, %select_n3A_160 : vector<16xf32>
      %add3A = vector.broadcast %scan3A_148 : f32 to vector<16xf32>
      %add3A_172 = arith.addf %sub3A_171, %add3A : vector<16xf32>
      %broadcast_in_dim3A_173 = arith.constant true
      %broadcast_in_dim3A_174 = vector.broadcast %broadcast_in_dim3A_173 : i1 to vector<16xi1>
      %masked_cumsum3A_175 = tpu.scan <sum>, %select_n3A_168 masked %broadcast_in_dim3A_174 : vector<16xf32>, vector<16xi1> -> vector<16xf32>
      %sub3A_176 = arith.subf %masked_cumsum3A_175, %select_n3A_168 : vector<16xf32>
      %add3A_177 = vector.broadcast %scan3A_149 : f32 to vector<16xf32>
      %add3A_178 = arith.addf %sub3A_176, %add3A_177 : vector<16xf32>
      %gt3A = arith.constant 0.000000e+00 : f32
      %gt3A_179 = vector.broadcast %gt3A : f32 to vector<16xf32>
      %gt3A_180 = arith.cmpf ogt, %select_n3A_160, %gt3A_179 : vector<16xf32>
      %ge3A_181 = vector.broadcast %sub3A_133 : f32 to vector<16xf32>
      %ge3A_182 = arith.cmpf oge, %add3A_172, %ge3A_181 : vector<16xf32>
      %and3A_183 = arith.andi %gt3A_180, %ge3A_182 : vector<16xi1>
      %jit3A_184 = arith.constant 1.000000e+00 : f32
      %jit3A_185 = arith.constant 0.000000e+00 : f32
      %broadcast_in_dim3A_186 = vector.broadcast %jit3A_184 : f32 to vector<16xf32>
      %broadcast_in_dim3A_187 = vector.broadcast %jit3A_185 : f32 to vector<16xf32>
      %select_n3A_188 = arith.select %and3A_183, %broadcast_in_dim3A_186, %broadcast_in_dim3A_187 : vector<16xi1>, vector<16xf32>
      %gt3A_189 = arith.constant 0.000000e+00 : f32
      %gt3A_190 = vector.broadcast %gt3A_189 : f32 to vector<16xf32>
      %gt3A_191 = arith.cmpf ogt, %select_n3A_168, %gt3A_190 : vector<16xf32>
      %ge3A_192 = vector.broadcast %sub3A_138 : f32 to vector<16xf32>
      %ge3A_193 = arith.cmpf oge, %add3A_178, %ge3A_192 : vector<16xf32>
      %and3A_194 = arith.andi %gt3A_191, %ge3A_193 : vector<16xi1>
      %jit3A_195 = arith.constant 1.000000e+00 : f32
      %jit3A_196 = arith.constant 0.000000e+00 : f32
      %broadcast_in_dim3A_197 = vector.broadcast %jit3A_195 : f32 to vector<16xf32>
      %broadcast_in_dim3A_198 = vector.broadcast %jit3A_196 : f32 to vector<16xf32>
      %select_n3A_199 = arith.select %and3A_194, %broadcast_in_dim3A_197, %broadcast_in_dim3A_198 : vector<16xi1>, vector<16xf32>
      %get3A_200 = arith.index_cast %mul3A_151 : i32 to index
      %get3A_201 = tpu.vector_load %arg17[%get3A_200] {strides = array<i32>} : memref<672xi32, #tpu.memory_space<vmem>>, vector<16xi32>,
      %broadcast_in_dim3A_202 = arith.constant 0 : i32
      %broadcast_in_dim3A_203 = vector.broadcast %broadcast_in_dim3A_202 : i32 to vector<16xi32>
      %gather3A_204 = tpu.vector_load_idx %arg12[%broadcast_in_dim3A_203, %get3A_201] : memref<8x32xf32, #tpu.memory_space<vmem>>[vector<16xi32>, vector<16xi32>], vector<16xf32>,
      %broadcast_in_dim3A_205 = arith.constant 1 : i32
      %broadcast_in_dim3A_206 = vector.broadcast %broadcast_in_dim3A_205 : i32 to vector<16xi32>
      %gather3A_207 = tpu.vector_load_idx %arg12[%broadcast_in_dim3A_206, %get3A_201] : memref<8x32xf32, #tpu.memory_space<vmem>>[vector<16xi32>, vector<16xi32>], vector<16xf32>,
      %broadcast_in_dim3A_208 = arith.constant 2 : i32
      %broadcast_in_dim3A_209 = vector.broadcast %broadcast_in_dim3A_208 : i32 to vector<16xi32>
      %gather3A_210 = tpu.vector_load_idx %arg12[%broadcast_in_dim3A_209, %get3A_201] : memref<8x32xf32, #tpu.memory_space<vmem>>[vector<16xi32>, vector<16xi32>], vector<16xf32>,
      %broadcast_in_dim3A_211 = arith.constant 3 : i32
      %broadcast_in_dim3A_212 = vector.broadcast %broadcast_in_dim3A_211 : i32 to vector<16xi32>
      %gather3A_213 = tpu.vector_load_idx %arg12[%broadcast_in_dim3A_212, %get3A_201] : memref<8x32xf32, #tpu.memory_space<vmem>>[vector<16xi32>, vector<16xi32>], vector<16xf32>,
      %broadcast_in_dim3A_214 = arith.constant 4 : i32
      %broadcast_in_dim3A_215 = vector.broadcast %broadcast_in_dim3A_214 : i32 to vector<16xi32>
      %gather3A_216 = tpu.vector_load_idx %arg12[%broadcast_in_dim3A_215, %get3A_201] : memref<8x32xf32, #tpu.memory_space<vmem>>[vector<16xi32>, vector<16xi32>], vector<16xf32>,
      %mul3A_217 = arith.constant 16 : i32
      %mul3A_218 = arith.muli %scan3A_147, %mul3A_217 : i32
      %add3A_219 = vector.broadcast %mul3A_218 : i32 to vector<16xi32>
      %add3A_220 = arith.addi %add3A_219, %iota3A : vector<16xi32>
      %mul3A_221 = arith.constant 8 : i32
      %mul3A_222 = vector.broadcast %mul3A_221 : i32 to vector<16xi32>
      %mul3A_223 = arith.muli %add3A_220, %mul3A_222 : vector<16xi32>
      tpu.vector_store_idx %arg16[%mul3A_223], %select_n3A_188 : memref<5376xf32, #tpu.memory_space<vmem>>[vector<16xi32>], vector<16xf32>,
      %add3A_224 = arith.constant 1 : i32
      %add3A_225 = vector.broadcast %add3A_224 : i32 to vector<16xi32>
      %add3A_226 = arith.addi %mul3A_223, %add3A_225 : vector<16xi32>
      tpu.vector_store_idx %arg16[%add3A_226], %select_n3A_199 : memref<5376xf32, #tpu.memory_space<vmem>>[vector<16xi32>], vector<16xf32>,
      %add3A_227 = arith.constant 2 : i32
      %add3A_228 = vector.broadcast %add3A_227 : i32 to vector<16xi32>
      %add3A_229 = arith.addi %mul3A_223, %add3A_228 : vector<16xi32>
      tpu.vector_store_idx %arg16[%add3A_229], %gather3A_204 : memref<5376xf32, #tpu.memory_space<vmem>>[vector<16xi32>], vector<16xf32>,
      %add3A_230 = arith.constant 3 : i32
      %add3A_231 = vector.broadcast %add3A_230 : i32 to vector<16xi32>
      %add3A_232 = arith.addi %mul3A_223, %add3A_231 : vector<16xi32>
      tpu.vector_store_idx %arg16[%add3A_232], %gather3A_207 : memref<5376xf32, #tpu.memory_space<vmem>>[vector<16xi32>], vector<16xf32>,
      %add3A_233 = arith.constant 4 : i32
      %add3A_234 = vector.broadcast %add3A_233 : i32 to vector<16xi32>
      %add3A_235 = arith.addi %mul3A_223, %add3A_234 : vector<16xi32>
      tpu.vector_store_idx %arg16[%add3A_235], %gather3A_210 : memref<5376xf32, #tpu.memory_space<vmem>>[vector<16xi32>], vector<16xf32>,
      %add3A_236 = arith.constant 5 : i32
      %add3A_237 = vector.broadcast %add3A_236 : i32 to vector<16xi32>
      %add3A_238 = arith.addi %mul3A_223, %add3A_237 : vector<16xi32>
      tpu.vector_store_idx %arg16[%add3A_238], %gather3A_213 : memref<5376xf32, #tpu.memory_space<vmem>>[vector<16xi32>], vector<16xf32>,
      %add3A_239 = arith.constant 6 : i32
      %add3A_240 = vector.broadcast %add3A_239 : i32 to vector<16xi32>
      %add3A_241 = arith.addi %mul3A_223, %add3A_240 : vector<16xi32>
      tpu.vector_store_idx %arg16[%add3A_241], %gather3A_216 : memref<5376xf32, #tpu.memory_space<vmem>>[vector<16xi32>], vector<16xf32>,
      %add3A_242 = arith.constant 7 : i32
      %add3A_243 = vector.broadcast %add3A_242 : i32 to vector<16xi32>
      %add3A_244 = arith.addi %mul3A_223, %add3A_243 : vector<16xi32>
      tpu.vector_store_idx %arg16[%add3A_244], %broadcast_in_dim3A_23 : memref<5376xf32, #tpu.memory_space<vmem>>[vector<16xi32>], vector<16xf32>,
      %reduce_sum3A_245 = arith.constant true
      %reduce_sum3A_246 = vector.broadcast %reduce_sum3A_245 : i1 to vector<16xi1>
      %reduce_sum3A_247 = tpu.scan <sum>, %select_n3A_160 masked %reduce_sum3A_246 : vector<16xf32>, vector<16xi1> -> vector<16xf32>
      %reduce_sum3A_248 = vector.extract %reduce_sum3A_247[15] : f32 from vector<16xf32>
      %add3A_249 = arith.addf %scan3A_148, %reduce_sum3A_248 : f32
      %reduce_sum3A_250 = arith.constant true
      %reduce_sum3A_251 = vector.broadcast %reduce_sum3A_250 : i1 to vector<16xi1>
      %reduce_sum3A_252 = tpu.scan <sum>, %select_n3A_168 masked %reduce_sum3A_251 : vector<16xf32>, vector<16xi1> -> vector<16xf32>
      %reduce_sum3A_253 = vector.extract %reduce_sum3A_252[15] : f32 from vector<16xf32>
      %add3A_254 = arith.addf %scan3A_149, %reduce_sum3A_253 : f32
      scf.yield %add3A_249, %add3A_254 : f32, f32
    }
    %scan3A_144 = arith.constant 42 : i32
    %mul3A_145 = arith.constant 8 : i32
    %mul3A_146 = arith.muli %mul3A_0, %mul3A_145 : i32
    "tpu.region"() ({
      %run_scoped3A = tpu.sem_alloc : memref<!tpu.dma_semaphore, #tpu.memory_space<semaphore_mem>>
      %dma_start3A = tpu.memref_slice %arg5[%mul3A_146] : memref<86016xf32, #tpu.memory_space<hbm>> -> memref<5376xf32, #tpu.memory_space<hbm>>
      %dma_start3A_147 = tpu.memref_slice %arg5[%mul3A_146] : memref<86016xf32, #tpu.memory_space<hbm>> -> memref<5376xf32, #tpu.memory_space<hbm>>
      tpu.enqueue_dma source(%arg16 : memref<5376xf32, #tpu.memory_space<vmem>>) target(%dma_start3A_147 : memref<5376xf32, #tpu.memory_space<hbm>>) target_semaphore(%run_scoped3A : memref<!tpu.dma_semaphore, #tpu.memory_space<semaphore_mem>>)
      %dma_wait3A = tpu.memref_slice %arg5[%mul3A_146] : memref<86016xf32, #tpu.memory_space<hbm>> -> memref<5376xf32, #tpu.memory_space<hbm>>
      %dma_wait3A_148 = tpu.memref_slice %arg5[%mul3A_146] : memref<86016xf32, #tpu.memory_space<hbm>> -> memref<5376xf32, #tpu.memory_space<hbm>>
      tpu.wait_dma2 semaphore(%run_scoped3A : memref<!tpu.dma_semaphore, #tpu.memory_space<semaphore_mem>>) src(%arg16 : memref<5376xf32, #tpu.memory_space<vmem>>) dst(%dma_wait3A_148 : memref<5376xf32, #tpu.memory_space<hbm>>)
      tpu.yield
    }) : () -> ()
    return
  }
}

module attributes {stable_mosaic.version = 14 : i64} {
  func.func @_tc_body(%arg0: i32, %arg1: memref<1344x85xf32, #tpu.memory_space<vmem>>, %arg2: memref<1344x8xf32, #tpu.memory_space<vmem>>, %arg3: memref<1344x85xf32, #tpu.memory_space<vmem>>, %arg4: memref<1x1xf32, #tpu.memory_space<vmem>>, %arg5: memref<8xf32, #tpu.memory_space<smem>>) attributes {dimension_semantics = [#tpu.dimension_semantics<arbitrary>], iteration_bounds = array<i64: 8>, scalar_prefetch = 0 : i64, scratch_operands = 1 : i64, tpu.core_type = #tpu.core_type<tc>, window_params = [{transform_indices = @transform_0, window_bounds = array<i64: 1344, 85>}, {transform_indices = @transform_1, window_bounds = array<i64: 1344, 8>}, {transform_indices = @transform_2, window_bounds = array<i64: 1344, 85>}, {pipeline_mode = #tpu.pipeline_mode<synchronous>, transform_indices = @transform_3, window_bounds = array<i64: 1, 1>}]} {
    %eq3A = arith.constant 0 : i32
    %eq3A_0 = arith.cmpi eq, %arg0, %eq3A : i32
    %convert_element_type3A = arith.extui %eq3A_0 : i1 to i32
    %cond3A = arith.constant 0 : i32
    %cond3A_1 = arith.cmpi ne, %convert_element_type3A, %cond3A : i32
    scf.if %cond3A_1 {
      %swap3A_128 = arith.constant 0.000000e+00 : f32
      %swap3A_129 = arith.constant 0 : index
      %swap3A_130 = memref.load %arg5[%swap3A_129] : memref<8xf32, #tpu.memory_space<smem>>
      memref.store %swap3A_128, %arg5[%swap3A_129] : memref<8xf32, #tpu.memory_space<smem>>
      %swap3A_131 = arith.constant 0.000000e+00 : f32
      %swap3A_132 = arith.constant 1 : index
      %swap3A_133 = memref.load %arg5[%swap3A_132] : memref<8xf32, #tpu.memory_space<smem>>
      memref.store %swap3A_131, %arg5[%swap3A_132] : memref<8xf32, #tpu.memory_space<smem>>
      %swap3A_134 = arith.constant 0.000000e+00 : f32
      %swap3A_135 = arith.constant 2 : index
      %swap3A_136 = memref.load %arg5[%swap3A_135] : memref<8xf32, #tpu.memory_space<smem>>
      memref.store %swap3A_134, %arg5[%swap3A_135] : memref<8xf32, #tpu.memory_space<smem>>
      %swap3A_137 = arith.constant 0.000000e+00 : f32
      %swap3A_138 = arith.constant 3 : index
      %swap3A_139 = memref.load %arg5[%swap3A_138] : memref<8xf32, #tpu.memory_space<smem>>
      memref.store %swap3A_137, %arg5[%swap3A_138] : memref<8xf32, #tpu.memory_space<smem>>
      %swap3A_140 = arith.constant 0.000000e+00 : f32
      %swap3A_141 = arith.constant 4 : index
      %swap3A_142 = memref.load %arg5[%swap3A_141] : memref<8xf32, #tpu.memory_space<smem>>
      memref.store %swap3A_140, %arg5[%swap3A_141] : memref<8xf32, #tpu.memory_space<smem>>
      %swap3A_143 = arith.constant 0.000000e+00 : f32
      %swap3A_144 = arith.constant 5 : index
      %swap3A_145 = memref.load %arg5[%swap3A_144] : memref<8xf32, #tpu.memory_space<smem>>
      memref.store %swap3A_143, %arg5[%swap3A_144] : memref<8xf32, #tpu.memory_space<smem>>
    } else {
    }
    %mul3A = arith.constant 1344 : i32
    %mul3A_2 = arith.muli %arg0, %mul3A : i32
    %iota3A = tpu.iota {dimensions = array<i32: 0>} : vector<1344x1xi32>
    %add3A = vector.broadcast %mul3A_2 : i32 to vector<1344x1xi32>
    %add3A_3 = arith.addi %add3A, %iota3A : vector<1344x1xi32>
    %lt3A = arith.constant 10647 : i32
    %lt3A_4 = vector.broadcast %lt3A : i32 to vector<1344x1xi32>
    %lt3A_5 = arith.cmpi slt, %add3A_3, %lt3A_4 : vector<1344x1xi32>
    %get3A = arith.constant 0 : index
    %get3A_6 = arith.constant 0 : index
    %get3A_7 = vector.load %arg1[%get3A, %get3A_6] : memref<1344x85xf32, #tpu.memory_space<vmem>>, vector<1344x85xf32>
    %swap3A = arith.constant 0 : index
    %swap3A_8 = arith.constant 0 : index
    %swap3A_9 = vector.load %arg3[%swap3A, %swap3A_8] : memref<1344x85xf32, #tpu.memory_space<vmem>>, vector<1344x85xf32>
    tpu.vector_store %arg3[%swap3A, %swap3A_8], %get3A_7 {strides = array<i32>} : memref<1344x85xf32, #tpu.memory_space<vmem>>, vector<1344x85xf32>,
    %jit3A = arith.constant 0.000000e+00 : f32
    %broadcast_in_dim3A = vector.shape_cast %lt3A_5 : vector<1344x1xi1> to vector<1344x1xi1>
    %broadcast_in_dim3A_10 = vector.broadcast %broadcast_in_dim3A : vector<1344x1xi1> to vector<1344x85xi1>
    %broadcast_in_dim3A_11 = vector.broadcast %jit3A : f32 to vector<1344x85xf32>
    %select_n3A = arith.select %broadcast_in_dim3A_10, %get3A_7, %broadcast_in_dim3A_11 : vector<1344x85xi1>, vector<1344x85xf32>
    %get3A_12 = arith.constant 0 : index
    %get3A_13 = arith.constant 0 : index
    %get3A_14 = vector.load %arg2[%get3A_12, %get3A_13] : memref<1344x8xf32, #tpu.memory_space<vmem>>, vector<1344x1xf32>
    %get3A_15 = arith.constant 0 : index
    %get3A_16 = arith.constant 1 : index
    %get3A_17 = vector.load %arg2[%get3A_15, %get3A_16] : memref<1344x8xf32, #tpu.memory_space<vmem>>, vector<1344x1xf32>
    %get3A_18 = arith.constant 0 : index
    %get3A_19 = arith.constant 2 : index
    %get3A_20 = vector.load %arg2[%get3A_18, %get3A_19] : memref<1344x8xf32, #tpu.memory_space<vmem>>, vector<1344x4xf32>
    %get3A_21 = arith.constant 0 : index
    %get3A_22 = arith.constant 6 : index
    %get3A_23 = vector.load %arg2[%get3A_21, %get3A_22] : memref<1344x8xf32, #tpu.memory_space<vmem>>, vector<1344x1xf32>
    %convert_element_type3A_24 = arith.fptosi %get3A_23 : vector<1344x1xf32> to vector<1344x1xi32>
    %slice3A = vector.extract_strided_slice %select_n3A {offsets = [0, 0], sizes = [1344, 4], strides = [1, 1]} : vector<1344x85xf32> to vector<1344x4xf32>
    %sub3A = arith.subf %slice3A, %get3A_20 : vector<1344x4xf32>
    %mul3A_25 = arith.mulf %sub3A, %sub3A : vector<1344x4xf32>
    %mul3A_26 = vector.broadcast %get3A_14 : vector<1344x1xf32> to vector<1344x4xf32>
    %mul3A_27 = arith.mulf %mul3A_26, %mul3A_25 : vector<1344x4xf32>
    %reduce_sum3A = vector.shape_cast %mul3A_27 : vector<1344x4xf32> to vector<1x1344x4xf32>
    %reduce_sum3A_28 = arith.constant dense<0.000000e+00> : vector<1xf32>
    %reduce_sum3A_29 = vector.multi_reduction <add>, %reduce_sum3A, %reduce_sum3A_28 [1, 2] : vector<1x1344x4xf32> to vector<1xf32>
    %reduce_sum3A_30 = vector.shape_cast %reduce_sum3A_29 : vector<1xf32> to vector<1x1x1xf32>
    %reduce_sum3A_31 = vector.extract %reduce_sum3A_30[0, 0, 0] : f32 from vector<1x1x1xf32>
    %slice3A_32 = vector.extract_strided_slice %select_n3A {offsets = [0, 4], sizes = [1344, 1], strides = [1, 1]} : vector<1344x85xf32> to vector<1344x1xf32>
    %max3A = arith.constant 0.000000e+00 : f32
    %max3A_33 = vector.broadcast %max3A : f32 to vector<1344x1xf32>
    %max3A_34 = arith.maximumf %slice3A_32, %max3A_33 : vector<1344x1xf32>
    %abs3A = math.absf %slice3A_32 : vector<1344x1xf32>
    %neg3A = arith.constant 0.000000e+00 : f32
    %neg3A_35 = vector.broadcast %neg3A : f32 to vector<1344x1xf32>
    %neg3A_36 = arith.subf %neg3A_35, %abs3A : vector<1344x1xf32>
    %exp3A = math.exp %neg3A_36 : vector<1344x1xf32>
    %log1p3A = math.log1p %exp3A : vector<1344x1xf32>
    %add3A_37 = arith.addf %max3A_34, %log1p3A : vector<1344x1xf32>
    %sub3A_38 = arith.subf %add3A_37, %slice3A_32 : vector<1344x1xf32>
    %mul3A_39 = arith.mulf %get3A_14, %sub3A_38 : vector<1344x1xf32>
    %reduce_sum3A_40 = vector.shape_cast %mul3A_39 : vector<1344x1xf32> to vector<1x1344x1xf32>
    %reduce_sum3A_41 = arith.constant dense<0.000000e+00> : vector<1xf32>
    %reduce_sum3A_42 = vector.multi_reduction <add>, %reduce_sum3A_40, %reduce_sum3A_41 [1, 2] : vector<1x1344x1xf32> to vector<1xf32>
    %reduce_sum3A_43 = vector.shape_cast %reduce_sum3A_42 : vector<1xf32> to vector<1x1x1xf32>
    %reduce_sum3A_44 = vector.extract %reduce_sum3A_43[0, 0, 0] : f32 from vector<1x1x1xf32>
    %mul3A_45 = arith.mulf %get3A_17, %add3A_37 : vector<1344x1xf32>
    %reduce_sum3A_46 = vector.shape_cast %mul3A_45 : vector<1344x1xf32> to vector<1x1344x1xf32>
    %reduce_sum3A_47 = arith.constant dense<0.000000e+00> : vector<1xf32>
    %reduce_sum3A_48 = vector.multi_reduction <add>, %reduce_sum3A_46, %reduce_sum3A_47 [1, 2] : vector<1x1344x1xf32> to vector<1xf32>
    %reduce_sum3A_49 = vector.shape_cast %reduce_sum3A_48 : vector<1xf32> to vector<1x1x1xf32>
    %reduce_sum3A_50 = vector.extract %reduce_sum3A_49[0, 0, 0] : f32 from vector<1x1x1xf32>
    %slice3A_51 = vector.extract_strided_slice %select_n3A {offsets = [0, 5], sizes = [1344, 80], strides = [1, 1]} : vector<1344x85xf32> to vector<1344x80xf32>
    %max3A_52 = arith.constant 0.000000e+00 : f32
    %max3A_53 = vector.broadcast %max3A_52 : f32 to vector<1344x80xf32>
    %max3A_54 = arith.maximumf %slice3A_51, %max3A_53 : vector<1344x80xf32>
    %abs3A_55 = math.absf %slice3A_51 : vector<1344x80xf32>
    %neg3A_56 = arith.constant 0.000000e+00 : f32
    %neg3A_57 = vector.broadcast %neg3A_56 : f32 to vector<1344x80xf32>
    %neg3A_58 = arith.subf %neg3A_57, %abs3A_55 : vector<1344x80xf32>
    %exp3A_59 = math.exp %neg3A_58 : vector<1344x80xf32>
    %log1p3A_60 = math.log1p %exp3A_59 : vector<1344x80xf32>
    %add3A_61 = arith.addf %max3A_54, %log1p3A_60 : vector<1344x80xf32>
    %mul3A_62 = vector.broadcast %get3A_14 : vector<1344x1xf32> to vector<1344x80xf32>
    %mul3A_63 = arith.mulf %mul3A_62, %add3A_61 : vector<1344x80xf32>
    %reduce_sum3A_64 = vector.shape_cast %mul3A_63 : vector<1344x80xf32> to vector<1x1344x80xf32>
    %reduce_sum3A_65 = arith.constant dense<0.000000e+00> : vector<1xf32>
    %reduce_sum3A_66 = vector.multi_reduction <add>, %reduce_sum3A_64, %reduce_sum3A_65 [1, 2] : vector<1x1344x80xf32> to vector<1xf32>
    %reduce_sum3A_67 = vector.shape_cast %reduce_sum3A_66 : vector<1xf32> to vector<1x1x1xf32>
    %reduce_sum3A_68 = vector.extract %reduce_sum3A_67[0, 0, 0] : f32 from vector<1x1x1xf32>
    %iota3A_69 = tpu.iota {dimensions = array<i32: 1>} : vector<1344x85xi32>
    %eq3A_70 = vector.broadcast %convert_element_type3A_24 : vector<1344x1xi32> to vector<1344x85xi32>
    %eq3A_71 = arith.cmpi eq, %iota3A_69, %eq3A_70 : vector<1344x85xi32>
    %jit3A_72 = arith.constant 0.000000e+00 : f32
    %broadcast_in_dim3A_73 = vector.broadcast %jit3A_72 : f32 to vector<1344x85xf32>
    %select_n3A_74 = arith.select %eq3A_71, %select_n3A, %broadcast_in_dim3A_73 : vector<1344x85xi1>, vector<1344x85xf32>
    %mul3A_75 = vector.broadcast %get3A_14 : vector<1344x1xf32> to vector<1344x85xf32>
    %mul3A_76 = arith.mulf %mul3A_75, %select_n3A_74 : vector<1344x85xf32>
    %reduce_sum3A_77 = vector.shape_cast %mul3A_76 : vector<1344x85xf32> to vector<1x1344x85xf32>
    %reduce_sum3A_78 = arith.constant dense<0.000000e+00> : vector<1xf32>
    %reduce_sum3A_79 = vector.multi_reduction <add>, %reduce_sum3A_77, %reduce_sum3A_78 [1, 2] : vector<1x1344x85xf32> to vector<1xf32>
    %reduce_sum3A_80 = vector.shape_cast %reduce_sum3A_79 : vector<1xf32> to vector<1x1x1xf32>
    %reduce_sum3A_81 = vector.extract %reduce_sum3A_80[0, 0, 0] : f32 from vector<1x1x1xf32>
    %sub3A_82 = arith.subf %reduce_sum3A_68, %reduce_sum3A_81 : f32
    %get3A_83 = arith.constant 0 : index
    %get3A_84 = memref.load %arg5[%get3A_83] : memref<8xf32, #tpu.memory_space<smem>>
    %add3A_85 = arith.addf %get3A_84, %reduce_sum3A_31 : f32
    %swap3A_86 = arith.constant 0 : index
    %swap3A_87 = memref.load %arg5[%swap3A_86] : memref<8xf32, #tpu.memory_space<smem>>
    memref.store %add3A_85, %arg5[%swap3A_86] : memref<8xf32, #tpu.memory_space<smem>>
    %get3A_88 = arith.constant 1 : index
    %get3A_89 = memref.load %arg5[%get3A_88] : memref<8xf32, #tpu.memory_space<smem>>
    %add3A_90 = arith.addf %get3A_89, %reduce_sum3A_44 : f32
    %swap3A_91 = arith.constant 1 : index
    %swap3A_92 = memref.load %arg5[%swap3A_91] : memref<8xf32, #tpu.memory_space<smem>>
    memref.store %add3A_90, %arg5[%swap3A_91] : memref<8xf32, #tpu.memory_space<smem>>
    %get3A_93 = arith.constant 2 : index
    %get3A_94 = memref.load %arg5[%get3A_93] : memref<8xf32, #tpu.memory_space<smem>>
    %add3A_95 = arith.addf %get3A_94, %reduce_sum3A_50 : f32
    %swap3A_96 = arith.constant 2 : index
    %swap3A_97 = memref.load %arg5[%swap3A_96] : memref<8xf32, #tpu.memory_space<smem>>
    memref.store %add3A_95, %arg5[%swap3A_96] : memref<8xf32, #tpu.memory_space<smem>>
    %get3A_98 = arith.constant 3 : index
    %get3A_99 = memref.load %arg5[%get3A_98] : memref<8xf32, #tpu.memory_space<smem>>
    %add3A_100 = arith.addf %get3A_99, %sub3A_82 : f32
    %swap3A_101 = arith.constant 3 : index
    %swap3A_102 = memref.load %arg5[%swap3A_101] : memref<8xf32, #tpu.memory_space<smem>>
    memref.store %add3A_100, %arg5[%swap3A_101] : memref<8xf32, #tpu.memory_space<smem>>
    %get3A_103 = arith.constant 4 : index
    %get3A_104 = memref.load %arg5[%get3A_103] : memref<8xf32, #tpu.memory_space<smem>>
    %reduce_sum3A_105 = vector.shape_cast %get3A_14 : vector<1344x1xf32> to vector<1x1344x1xf32>
    %reduce_sum3A_106 = arith.constant dense<0.000000e+00> : vector<1xf32>
    %reduce_sum3A_107 = vector.multi_reduction <add>, %reduce_sum3A_105, %reduce_sum3A_106 [1, 2] : vector<1x1344x1xf32> to vector<1xf32>
    %reduce_sum3A_108 = vector.shape_cast %reduce_sum3A_107 : vector<1xf32> to vector<1x1x1xf32>
    %reduce_sum3A_109 = vector.extract %reduce_sum3A_108[0, 0, 0] : f32 from vector<1x1x1xf32>
    %add3A_110 = arith.addf %get3A_104, %reduce_sum3A_109 : f32
    %swap3A_111 = arith.constant 4 : index
    %swap3A_112 = memref.load %arg5[%swap3A_111] : memref<8xf32, #tpu.memory_space<smem>>
    memref.store %add3A_110, %arg5[%swap3A_111] : memref<8xf32, #tpu.memory_space<smem>>
    %get3A_113 = arith.constant 5 : index
    %get3A_114 = memref.load %arg5[%get3A_113] : memref<8xf32, #tpu.memory_space<smem>>
    %reduce_sum3A_115 = vector.shape_cast %get3A_17 : vector<1344x1xf32> to vector<1x1344x1xf32>
    %reduce_sum3A_116 = arith.constant dense<0.000000e+00> : vector<1xf32>
    %reduce_sum3A_117 = vector.multi_reduction <add>, %reduce_sum3A_115, %reduce_sum3A_116 [1, 2] : vector<1x1344x1xf32> to vector<1xf32>
    %reduce_sum3A_118 = vector.shape_cast %reduce_sum3A_117 : vector<1xf32> to vector<1x1x1xf32>
    %reduce_sum3A_119 = vector.extract %reduce_sum3A_118[0, 0, 0] : f32 from vector<1x1x1xf32>
    %add3A_120 = arith.addf %get3A_114, %reduce_sum3A_119 : f32
    %swap3A_121 = arith.constant 5 : index
    %swap3A_122 = memref.load %arg5[%swap3A_121] : memref<8xf32, #tpu.memory_space<smem>>
    memref.store %add3A_120, %arg5[%swap3A_121] : memref<8xf32, #tpu.memory_space<smem>>
    %eq3A_123 = arith.constant 7 : i32
    %eq3A_124 = arith.cmpi eq, %arg0, %eq3A_123 : i32
    %convert_element_type3A_125 = arith.extui %eq3A_124 : i1 to i32
    %cond3A_126 = arith.constant 0 : i32
    %cond3A_127 = arith.cmpi ne, %convert_element_type3A_125, %cond3A_126 : i32
    scf.if %cond3A_127 {
      %get3A_128 = arith.constant 4 : index
      %get3A_129 = memref.load %arg5[%get3A_128] : memref<8xf32, #tpu.memory_space<smem>>
      %get3A_130 = arith.constant 5 : index
      %get3A_131 = memref.load %arg5[%get3A_130] : memref<8xf32, #tpu.memory_space<smem>>
      %get3A_132 = arith.constant 0 : index
      %get3A_133 = memref.load %arg5[%get3A_132] : memref<8xf32, #tpu.memory_space<smem>>
      %get3A_134 = arith.constant 1 : index
      %get3A_135 = memref.load %arg5[%get3A_134] : memref<8xf32, #tpu.memory_space<smem>>
      %add3A_136 = arith.addf %get3A_133, %get3A_135 : f32
      %div3A = arith.divf %add3A_136, %get3A_129 : f32
      %get3A_137 = arith.constant 2 : index
      %get3A_138 = memref.load %arg5[%get3A_137] : memref<8xf32, #tpu.memory_space<smem>>
      %div3A_139 = arith.divf %get3A_138, %get3A_131 : f32
      %add3A_140 = arith.addf %div3A, %div3A_139 : f32
      %get3A_141 = arith.constant 3 : index
      %get3A_142 = memref.load %arg5[%get3A_141] : memref<8xf32, #tpu.memory_space<smem>>
      %mul3A_143 = arith.constant 8.000000e+01 : f32
      %mul3A_144 = arith.mulf %get3A_129, %mul3A_143 : f32
      %div3A_145 = arith.divf %get3A_142, %mul3A_144 : f32
      %add3A_146 = arith.addf %add3A_140, %div3A_145 : f32
      %broadcast_in_dim3A_147 = vector.broadcast %add3A_146 : f32 to vector<1x1xf32>
      %swap3A_148 = arith.constant 0 : index
      %swap3A_149 = arith.constant 0 : index
      %swap3A_150 = vector.load %arg4[%swap3A_148, %swap3A_149] : memref<1x1xf32, #tpu.memory_space<vmem>>, vector<1x1xf32>
      tpu.vector_store %arg4[%swap3A_148, %swap3A_149], %broadcast_in_dim3A_147 {strides = array<i32>} : memref<1x1xf32, #tpu.memory_space<vmem>>, vector<1x1xf32>,
    } else {
    }
    return
  }
  func.func @transform_0(%arg0: i32) -> (i32, i32) {
    %c0_i32 = arith.constant 0 : i32
    %c0_i32_0 = arith.constant 0 : i32
    return %arg0, %c0_i32 : i32, i32
  }
  func.func @transform_1(%arg0: i32) -> (i32, i32) {
    %c0_i32 = arith.constant 0 : i32
    %c0_i32_0 = arith.constant 0 : i32
    return %arg0, %c0_i32 : i32, i32
  }
  func.func @transform_2(%arg0: i32) -> (i32, i32) {
    %c0_i32 = arith.constant 0 : i32
    %c0_i32_0 = arith.constant 0 : i32
    return %arg0, %c0_i32 : i32, i32
  }
  func.func @transform_3(%arg0: i32) -> (i32, i32) {
    %c0_i32 = arith.constant 0 : i32
    %c0_i32_0 = arith.constant 0 : i32
    %c0_i32_1 = arith.constant 0 : i32
    return %c0_i32, %c0_i32_0 : i32, i32
  }
}

</mosaic_0001>

<sc_bundles>
// kernel: kernel.4.cloned.1.call-start
scs
__scs_entry_jumppad:
0x0: {  	(pc) =	sbr.rel $0x88, $3  }
0x1: {  	(tag) =	ssettag $0x0;
	lr =	simm.s32 $0x1  }
0x2: {  	[smem:$0x3F9D] =	sst lr;
	_ =	strace $0xD0000000  }
0x3: {  	_ = 	snop  }
0x4: {  	_ = 	snop  }
0x5: {  	_ = 	snop  }
0x6: {  	_ = 	snop  }
0x7: {  	_ = 	snop  }
__scs_overlays_trampoline_lowered:
0x8: {  	[smem:$0x3FAC] =	sst s0  }
0x9: {  	[smem:$0x3FAD] =	sst s1  }
0xa: {  	[smem:$0x3FAE] =	sst s2  }
0xb: {  	[smem:$0x3FAF] =	sst s3  }
0xc: {  	[smem:$0x3FB0] =	sst s4  }
0xd: {  	[smem:$0x3FB1] =	sst s5  }
0xe: {  	[smem:$0x3FB2] =	sst s6  }
0xf: {  	[smem:$0x3FB3] =	sst s7  }
0x10: {  	[smem:$0x3FB4] =	sst s8  }
0x11: {  	[smem:$0x3FB5] =	sst s9;
	s0 =	simm.s32 @!p0 $0x0  }
0x12: {  	s1 =	sld [smem:$0x3F9B];
	s0 =	simm.s32 @p0 $0x1  }
0x13: {  	[smem:$0x3FB6] =	sst s0;
	s0 =	simm.s32 @!p1 $0x0  }
0x14: {  	s2 =	sld [smem:$0x3F9A];
	s0 =	simm.s32 @p1 $0x1  }
0x15: {  	[smem:$0x3FB7] =	sst s0;
	s0 =	simm.s32 @!p2 $0x0  }
0x16: {  	s3 =	sld [smem:$0x3FDB];
	s0 =	simm.s32 @p2 $0x1  }
0x17: {  	s4 =	simm.s32 $0x1BF5;
	[smem:$0x3FB9] =	sst s0  }
0x18: {  	s0 =	sld [smem:$0x3F9C];
	_ =	swait.ge [sflag:s4], $0x0  }
0x19: {  	s7 =	sld [smem:$0x3F9D]  }
0x1a: {  	s8 =	sadd.s32 $0xFFFFE003, lr  }
0x1b: {  	s9 =	sadd.s32 $0xFFFFFEF7, lr;
	s5 =	simm.s32 $0xFFFFFFFF;
	p2 =	slt.u32 s8, $0xFFFFF086  }
0x1c: {  	p1 =	slt.u32 s9, $0xF7A;
	s5 =	simm.s32 @!p2 $0x0  }
0x1d: {  	s5 =	simm.s32 @p1 $0x1;
	p0 =	seq.s32 s7, s2  }
0x1e: {  	s7 =	smul.u32 @!p0 $0xF7A, s2;
	p2 =	seq.s32 @!p0 s5, $0x0  }
0x1f: {  	s9 =	smul.u32 $0xF7A, s1;
	s8 =	simm.s32 @!p0 $0x1BF5;
	p2 =	por !p2, p0  }
0x20: {  	[sflag:s8] =	ssyncset.s32 @!p0 $0xFFFFF086;
	s6 =	sadd.s32 @!p0 s3, s7;
	s7 =	simm.s32 @!p0 $0x108  }
0x21: {  	s3 =	sadd.s32 s3, s9;
	s6 =	sadd.s32 @!p0 $0x88, s6;
	s7 =	simm.s32 @p2 $0x1082  }
0x22: {  	[simem:s7], [sflag:s8] =	dma.local @!p0 [hbm:s6], $0xF7A  }
0x23: {  	s9 =	sor.u32 $0xD0000000, s2;
	s6 =	simm.s32 $0x108;
	_ =	swait.ge @!p0 [sflag:s8], $0x0  }
0x24: {  	s3 =	sadd.s32 $0x88, s3;
	s6 =	simm.s32 @!p1 $0x1082;
	[sflag:s4] =	ssyncset.s32 $0xFFFFF086  }
0x25: {  	[simem:s6], [sflag:s4] =	dma.local [hbm:s3], $0xF7A  }
0x26: {  	[smem:$0x3F9D] =	sst s1;
	(tag) =	ssettag s2;
	_ =	strace s9  }
0x27: {  	s1 =	sld [smem:$0x3FAD]  }
0x28: {  	s2 =	sld [smem:$0x3FAE]  }
0x29: {  	s4 =	sld [smem:$0x3FB0]  }
0x2a: {  	p0 =	seq.s32 s5, $0x0;
	s5 =	sld [smem:$0x3FB1]  }
0x2b: {  	s6 =	sld [smem:$0x3FB2]  }
0x2c: {  	s7 =	sld [smem:$0x3FB3]  }
0x2d: {  	s3 =	simm.s32 $0x108;
	s8 =	sld [smem:$0x3FB4]  }
0x2e: {  	s3 =	simm.s32 @!p0 $0x1082;
	s9 =	sld [smem:$0x3FB5]  }
0x2f: {  	lr =	sadd.s32 s0, s3;
	s0 =	sld [smem:$0x3FAC]  }
0x30: {  	s3 =	sld [smem:$0x3FAF]  }
0x31: {  	[smem:$0x3FB8] =	sst s10  }
0x32: {  	s10 =	sld [smem:$0x3FB6];
	_ =	sdelay $0x3  }
0x33: {  	p0 =	seq.s32 s10, $0x1;
	s10 =	sld [smem:$0x3FB8];
	_ =	sdelay $0x3  }
0x34: {  	[smem:$0x3FB8] =	sst s10  }
0x35: {  	s10 =	sld [smem:$0x3FB7];
	_ =	sdelay $0x3  }
0x36: {  	p1 =	seq.s32 s10, $0x1;
	s10 =	sld [smem:$0x3FB8];
	_ =	sdelay $0x3  }
0x37: {  	[smem:$0x3FB8] =	sst s10  }
0x38: {  	s10 =	sld [smem:$0x3FB9]  }
0x39: {  	_ = 	snop;
	(pc) =	sbr.ind lr, $3  }
0x3a: {  	_ = 	snop  }
0x3b: {  	_ = 	snop  }
0x3c: {  	p2 =	seq.s32 s10, $0x1;
	s10 =	sld [smem:$0x3FB8]  }
0x3d: {  	_ =	shalt  }
0x3e: {  	_ =	shalt  }
0x3f: {  	_ =	shalt  }
0x40: {  	_ =	shalt  }
0x41: {  	_ =	shalt  }
0x42: {  	_ =	shalt  }
0x43: {  	_ =	shalt  }
0x44: {  	_ =	shalt  }
0x45: {  	_ =	shalt  }
0x46: {  	_ =	shalt  }
0x47: {  	_ =	shalt  }
0x48: {  	_ =	shalt  }
0x49: {  	_ =	shalt  }
0x4a: {  	_ =	shalt  }
0x4b: {  	_ =	shalt  }
0x4c: {  	_ =	shalt  }
0x4d: {  	_ =	shalt  }
0x4e: {  	_ =	shalt  }
0x4f: {  	_ =	shalt  }
0x50: {  	_ =	shalt  }
0x51: {  	_ =	shalt  }
0x52: {  	_ =	shalt  }
0x53: {  	_ =	shalt  }
0x54: {  	_ =	shalt  }
0x55: {  	_ =	shalt  }
0x56: {  	_ =	shalt  }
0x57: {  	_ =	shalt  }
0x58: {  	_ =	shalt  }
0x59: {  	_ =	shalt  }
0x5a: {  	_ =	shalt  }
0x5b: {  	_ =	shalt  }
0x5c: {  	_ =	shalt  }
0x5d: {  	_ =	shalt  }
0x5e: {  	_ =	shalt  }
0x5f: {  	_ =	shalt  }
0x60: {  	_ =	shalt  }
0x61: {  	_ =	shalt  }
0x62: {  	_ =	shalt  }
0x63: {  	_ =	shalt  }
0x64: {  	_ =	shalt  }
0x65: {  	_ =	shalt  }
0x66: {  	_ =	shalt  }
0x67: {  	_ =	shalt  }
0x68: {  	_ =	shalt  }
0x69: {  	_ =	shalt  }
0x6a: {  	_ =	shalt  }
0x6b: {  	_ =	shalt  }
0x6c: {  	_ =	shalt  }
0x6d: {  	_ =	shalt  }
0x6e: {  	_ =	shalt  }
0x6f: {  	_ =	shalt  }
0x70: {  	_ =	shalt  }
0x71: {  	_ =	shalt  }
0x72: {  	_ =	shalt  }
0x73: {  	_ =	shalt  }
0x74: {  	_ =	shalt  }
0x75: {  	_ =	shalt  }
0x76: {  	_ =	shalt  }
0x77: {  	_ =	shalt  }
0x78: {  	_ =	shalt  }
0x79: {  	_ =	shalt  }
0x7a: {  	_ =	shalt  }
0x7b: {  	_ =	shalt  }
0x7c: {  	_ =	shalt  }
0x7d: {  	_ =	shalt  }
0x7e: {  	_ =	shalt  }
0x7f: {  	_ =	shalt  }
0x80: {  	_ =	shalt  }
0x81: {  	_ =	shalt  }
0x82: {  	_ =	shalt  }
0x83: {  	_ =	shalt  }
0x84: {  	_ =	shalt  }
0x85: {  	_ =	shalt  }
0x86: {  	_ =	shalt  }
0x87: {  	_ =	shalt  }
.Lfunc_end0:
.L_simem_size_0:
called_computation_lowered:
.L_overlay_start_0:
0x88: {  	s0 =	sld [smem:$0x3FD9]  }
0x89: {  	s1 =	sld [smem:$0x3FFE];
	_ =	sdelay $0x3  }
0x8a: {  	s0 =	sadd.s32 s1, s0  }
0x8b: {  	[smem:$0x3FC4] =	sst s0  }
0x8c: {  	_ = 	snop  }
0x8d: {  	s0 =	sld [smem:$0x3FD0];
	_ =	sdelay $0x2  }
0x8e: {  	s13 =	simm.s32 $0xA;
	s2 =	simm.s32 $0x10  }
0x8f: {  	[smem:s2], [sflag:s13] =	dma.local [hbm:s0], $0x1  }
0x90: {  	_ =	swait.eq [sflag:s13], $0x1  }
0x91: {  	[sflag:s13] =	ssyncset.done $0x0  }
0x92: {  	[sflag:s13] =	ssyncadd.s32 $0xFFFFFFFF  }
0x93: {  	s14 =	sld [smem:$0x10];
	(tm) =	ssettm $0x1  }
0x94: {  	s15 =	sld [smem:$0x3FFB];
	_ =	sdelay $0x3  }
0x95: {  	_ =	strace s15  }
0x96: {  	s1 =	sld [smem:$0x3FFC];
	_ =	sdelay $0x3  }
0x97: {  	_ =	strace s1  }
0x98: {  	s1 =	sld [smem:$0x3FFD];
	_ =	sdelay $0x3  }
0x99: {  	_ =	strace s1  }
0x9a: {  	_ =	strace $0x8FFFFFFF  }
0x9b: {  	s16 =	sld [smem:$0x3FDB];
	_ =	sdelay $0x1  }
0x9c: {  	s17 =	simm.s32 $_scs_section_size  }
0x9d: {  	s3 =	simm.s32 $_size__tile_overlayer_lowered;
	s4 =	simm.s32 $_tile_overlayer_lowered  }
0x9e: {  	s20 =	simm.s32 $0x1BFF;
	s19 =	sshll.u32 s4, $0x1;
	s1 =	sadd.s32 s17, s16  }
0x9f: {  	s5 =	simm.s32 $0x0;
	s18 =	sshll.u32 s3, $0x1;
	s3 =	sadd.s32 s19, s1  }
0xa0: {  	[timem:s5], [sflag:s20] =	dma.local [hbm:s3], s18  }
0xa1: {  	_ =	swait.ge [sflag:s20], s18  }
0xa2: {  	s2 =	ssub.s32 $0x0, s18;
	[sflag:s20] =	ssyncset.done $0x0  }
0xa3: {  	[sflag:s20] =	ssyncadd.s32 s2;
	_ =	sdelay $0x1  }
0xa4: {  	s21 =	simm.s32 $0x1B8B  }
0xa5: {  	_ =	swait.ge [sflag:s21], $0x1  }
0xa6: {  	[sflag:s21] =	ssyncset.done $0x0  }
0xa7: {  	s23 =	simm.s32 $0x1B8E;
	s22 =	sld [smem:$0x3FFE];
	[sflag:s21] =	ssyncadd.s32 $0xFFFFFFFF  }
0xa8: {  	s24 =	simm.s32 $execute0_lowered;
	[smem:$0x3FD2] =	sst s23  }
0xa9: {  	s3 =	sshll.u32 s24, $0x1;
	_ =	strace $0x80000046;
	[dreg:$0x1] =	wrdreg $0xFFFFFFFF  }
0xaa: {  	s25 =	simm.s32 $_size_execute0_lowered;
	s1 =	sadd.s32 s1, s3;
	[dreg:$0x0] =	wrdreg $0x0  }
0xab: {  	s3 =	sshll.u32 s25, $0x1;
	[dreg:$0x2] =	wrdreg s1  }
0xac: {  	[dreg:$0x3] =	wrdreg s3  }
0xad: {  	[dreg:$0x4] =	wrdreg $0xC0  }
0xae: {  	_ =	task [dreg:s5], $0x5FFFF  }
0xaf: {  	[dreg:$0x1] =	wrdreg $0xFFFFFFFF  }
0xb0: {  	[dreg:$0x0] =	wrdreg $0x60  }
0xb1: {  	[dreg:$0x2] =	wrdreg s22  }
0xb2: {  	[dreg:$0x3] =	wrdreg s14  }
0xb3: {  	[dreg:$0x4] =	wrdreg $0xC7000  }
0xb4: {  	[dreg:$0x5] =	wrdreg $0xC7500  }
0xb5: {  	[dreg:$0x6] =	wrdreg $0x9  }
0xb6: {  	_ =	task.clear_ibuf [dreg:s5], $0x7FFFF;
	_ =	strace $0x90000046  }
0xb7: {  	s26 =	simm.s32 $0x9;
	_ =	strace $0x80000048  }
0xb8: {  	_ =	swait.ge [sflag:s26], $0x1  }
0xb9: {  	[sflag:s26] =	ssyncadd.s32 $0xFFFFFFFF  }
0xba: {  	_ =	strace $0x90000048  }
0xbb: {  	_ =	sfence  }
0xbc: {  	s28 =	sld [smem:$0x0];
	_ =	sdelay $0x1  }
0xbd: {  	s29 =	srdreg.scid  }
0xbe: {  	s30 =	sshll.u32 s29, $0xD;
	s31 =	sshrl.u32 s29, $0x2  }
0xbf: {  	s2 =	sand.u32 $0x4000, s30;
	s1 =	sand.u32 $0x1, s29;
	s0 =	sadd.s32 s31, s28  }
0xc0: {  	s1 =	sor.u32 s2, s1;
	s0 =	sshll.u32 s0, $0x11  }
0xc1: {  	s0 =	sor.u32 s0, s1  }
0xc2: {  	s0 =	sadd.s32 $0x8F2B, s0  }
0xc3: {  	[sflag:s0] =	ssyncadd.remote.s32 $0x1  }
0xc4: {  	_ =	sfence.sel $0xFFFF  }
0xc5: {  	[dreg:$0x0] =	wrdreg $0xFFFFFFFF;
	(pc) =	sbr.abs _section_cstart, $3  }
0xc6: {  	[dreg:$0x1] =	wrdreg $0xFFFFFFFF  }
0xc7: {  	_ =	task.clear_ibuf [dreg:s5], $0x2FFFF;
	_ =	strace $0x9FFFFFFF  }
0xc8: {  	(tm) =	ssettm $0x7FFFFFFF  }
0xc9: {  	_ =	shalt  }
tec
execute0_lowered:
.L_overlay_start_1:
0x0: {  	(tag) =	ssettag $0x1  }
0x1: {  	s3 =	rddreg [dreg:$0x0]  }
0x2: {  	s2 =	rddreg [dreg:$0x1]  }
0x3: {  	s5 =	rddreg [dreg:$0x2]  }
0x4: {  	s4 =	rddreg [dreg:$0x3];
	s6 =	simm.s32 $0x0  }
0x5: {  	[smem:$0x7FF] =	sst s6  }
0x6: {  	s0 =	rddreg [dreg:$0x4];
	v0 =	vimm.f32 $2.000000000e+00;
	_ =	strace $0x80000047  }
0x7: {  	(erf) = vrcp.f32 v0;
	_ =	sdelay $0x3  }
0x8: {  	s1 =	stileid.u32  }
0x9: {  	s7 =	smul.u32 $0x180, s1;
	_ =	sdelay $0x1  }
0xa: {  	s7 =	sadd.s32 s7, s3  }
0xb: {  	s8 =	simm.s32 $0xBB00;
	s25 =	simm.s32 $0x1;
	s7 =	sadd.s32 $0xA00, s7  }
0xc: {  	[tilespmem:s8], [sflag:$0x1] =	stream.linear.gather [hbm4b:s7+s6], $0xC00, $0x38;
	v0 =	vpop (erf);
	[tilespmem:$0xC760] =	vst v63  }
0xd: {  	_ =	swait.ge [sflag:s25], $0xC00  }
0xe: {  	[sflag:s25] =	ssyncset.done $0x0  }
0xf: {  	s9 =	simm.s32 $0x4800;
	s26 =	sadd.s32 $0x2400, s3;
	[sflag:s25] =	ssyncadd.s32 $0xFFFFF400  }
0x10: {  	[tilespmem:s9], [sflag:$0x1] =	stream.linear.gather [hbm4b:s26+s6], $0x5000, $0x38;
	[tilespmem:$0xC760] =	vst v63  }
0x11: {  	_ =	swait.ge [sflag:s25], $0x5000  }
0x12: {  	[sflag:s25] =	ssyncset.done $0x0  }
0x13: {  	s28 =	simm.s32 $0x9800;
	s3 =	sadd.s32 $0x2200, s3;
	[sflag:s25] =	ssyncadd.s32 $0xFFFFB000  }
0x14: {  	[tilespmem:s28], [sflag:$0x1] =	stream.linear.gather [hbm4b:s3+s6], $0x400, $0x38;
	[tilespmem:$0xC760] =	vst v63  }
0x15: {  	s29 =	simm.s32 $0x0;
	_ =	swait.ge [sflag:s25], $0x400  }
0x16: {  	s6 =	sand.u32 $0x70, s6;
	s3 =	sand.u32 $0x3FFFFE00, s29;
	[sflag:s25] =	ssyncset.done $0x0  }
0x17: {  	s3 =	sor.u32 s6, s3;
	[sflag:s25] =	ssyncadd.s32 $0xFFFFFC00  }
0x18: {  	v1 =	vld [tilespmem:s3+$0xBC00]  }
0x19: {  	v2 =	vld [tilespmem:s3+$0xBC80]  }
0x1a: {  	v3 =	vld [tilespmem:s3+$0xBB00]  }
0x1b: {  	v4 =	vld [tilespmem:s3+$0xBB80];
	_ =	sdelay $0x1  }
0x1c: {  	v1 =	vmul.f32 v1, v0  }
0x1d: {  	s30 =	simm.s32 $0x0;
	v2 =	vmul.f32 v2, v0  }
0x1e: {  	s3 =	sand.u32 $0x3FFFFC00, s30;
	v5 =	vsub.f32 v3, v1;
	v3 =	vadd.f32 v1, v3  }
0x1f: {  	s12 =	sor.u32 s6, s3;
	v1 =	vsub.f32 v4, v2;
	v2 =	vadd.f32 v2, v4  }
0x20: {  	s10 =	simm.s32 $0xB500;
	[tilespmem:s12+$0x1000] =	vst v5  }
0x21: {  	s31 =	simm.s32 $0x10;
	s13 =	simm.s32 $0x2;
	s14 =	simm.s32 $0x40;
	v4 =	vsub.f32 v3, v5;
	[tilespmem:s12+$0x1080] =	vst v1;
	v5 =	vsub.f32 v2, v1  }
0x22: {  	s11 =	simm.s32 $0x20;
	s8 =	simm.s32 $0x1;
	s7 =	simm.s32 $0xB810;
	[tilespmem:s12+$0x1180] =	vst v2  }
0x23: {  	s9 =	simm.s32 $0xB800;
	s6 =	sand.u32 $0x70, s31;
	s3 =	simm.s32 $0xB510;
	v1 =	vimm.f32 $-1.000000000e+00;
	v2 =	vimm.s32 $0x0;
	[tilespmem:s12+$0x1100] =	vst v3;
	v3 =	vmul.f32 v5, v4  }
.LBB2_1:
0x24: {  	s15 =	sand.u32 $0x70, s11  }
0x25: {  	s14 =	sand.u32 $0x3FFFFE00, s14;
	[tilespmem:s12+$0x1200] =	vst v3;
	s12 =	smov.u32 s13;
	s16 =	sadd.s32 $0x1, s13  }
0x26: {  	p0 =	sne.s32 s13, $0x29;
	s13 =	sor.u32 s6, s14;
	[tilespmem:s9+$0x0] =	vst v1;
	s9 =	smov.u32 s7  }
0x27: {  	[tilespmem:s10+$0x0] =	vst v2;
	s10 =	smov.u32 s3  }
0x28: {  	v3 =	vld [tilespmem:s13+$0xBC00]  }
0x29: {  	v4 =	vld [tilespmem:s13+$0xBC80]  }
0x2a: {  	v5 =	vld [tilespmem:s13+$0xBB00]  }
0x2b: {  	v6 =	vld [tilespmem:s13+$0xBB80];
	_ =	sdelay $0x1  }
0x2c: {  	v3 =	vmul.f32 v3, v0  }
0x2d: {  	s13 =	sshll.u32 s8, $0x7;
	s8 =	smov.u32 s12;
	v4 =	vmul.f32 v4, v0  }
0x2e: {  	s12 =	sand.u32 $0x3FFFFC00, s13;
	v7 =	vsub.f32 v5, v3;
	v3 =	vadd.f32 v3, v5  }
0x2f: {  	s12 =	sor.u32 s6, s12;
	s6 =	smov.u32 s15;
	v5 =	vsub.f32 v6, v4;
	v4 =	vadd.f32 v4, v6  }
.Ltmp0:
0x30: {  	[tilespmem:s12+$0x1000] =	vst v7;
	v6 =	vsub.f32 v3, v7;
	(pc) =	sbr.rel @p0 .LBB2_1-.Ltmp0, $4  }
0x31: {  	[tilespmem:s12+$0x1080] =	vst v5;
	v5 =	vsub.f32 v4, v5  }
0x32: {  	[tilespmem:s12+$0x1180] =	vst v4  }
0x33: {  	s11 =	sadd.s32 $0x10, s11;
	s3 =	sadd.s32 $0x10, s3;
	[tilespmem:s12+$0x1100] =	vst v3;
	v3 =	vmul.f32 v5, v6  }
0x34: {  	s7 =	sadd.s32 $0x10, s7;
	s14 =	sshll.u32 s8, $0x6;
	s13 =	smov.u32 s16  }
0x35: {  	[tilespmem:s12+$0x1200] =	vst v3  }
0x36: {  	s11 =	sand.u32 $0x3FFFFE00, s14;
	[tilespmem:s9+$0x0] =	vst v1  }
0x37: {  	s30 =	sor.u32 s6, s11;
	[tilespmem:s10+$0x0] =	vst v2  }
0x38: {  	v3 =	vld [tilespmem:s30+$0xBC00]  }
0x39: {  	v4 =	vld [tilespmem:s30+$0xBC80]  }
0x3a: {  	v5 =	vld [tilespmem:s30+$0xBB00]  }
0x3b: {  	v6 =	vld [tilespmem:s30+$0xBB80];
	_ =	sdelay $0x1  }
0x3c: {  	v3 =	vmul.f32 v3, v0  }
0x3d: {  	v0 =	vmul.f32 v4, v0  }
0x3e: {  	s8 =	sshll.u32 s8, $0x7;
	v62 =	vsub.f32 v5, v3;
	v3 =	vadd.f32 v3, v5  }
0x3f: {  	s8 =	sand.u32 $0x3FFFFC00, s8;
	v63 =	vsub.f32 v6, v0;
	v0 =	vadd.f32 v0, v6  }
0x40: {  	s31 =	sor.u32 s6, s8  }
0x41: {  	[tilespmem:s31+$0x1000] =	vst v62;
	v4 =	vsub.f32 v3, v62;
	v6 =	vsub.f32 v0, v63  }
0x42: {  	[tilespmem:s31+$0x1080] =	vst v63  }
0x43: {  	[tilespmem:s31+$0x1180] =	vst v0;
	v0 =	vmul.f32 v6, v4  }
0x44: {  	[tilespmem:s31+$0x1100] =	vst v3  }
0x45: {  	[tilespmem:s31+$0x1200] =	vst v0  }
0x46: {  	[tilespmem:s7+$0x0] =	vst v1  }
0x47: {  	s6 =	simm.s32 $0x0;
	v0 =	vlaneseq.u32;
	s7 =	simm.s32 $0x0;
	[tilespmem:s3+$0x0] =	vst v2;
	s3 =	smul.u32 $0x2A0, s1  }
.LBB2_3:
0x48: {  	s8 =	sshll.u32 s7, $0x9  }
0x49: {  	v1 =	vld [tilespmem:s8+$0x4800]  }
0x4a: {  	v4 =	vld [tilespmem:s8+$0x5800]  }
0x4b: {  	v2 =	vld [tilespmem:s8+$0x6800]  }
0x4c: {  	s17 =	sshllo.u32 s7, $0x2;
	v3 =	vld [tilespmem:s8+$0x7800]  }
0x4d: {  	s12 =	sand.u32 $0x70, s6;
	s13 =	sand.u32 $0x1C00, s6;
	v7 =	vld [tilespmem:s8+$0x8800];
	s11 =	sshll.u32 s17, $0x7  }
0x4e: {  	s12 =	sor.u32 s12, s13;
	v18 =	vld [tilespmem:s11+$0x5800]  }
0x4f: {  	v21 =	vld [tilespmem:s12+$0x1200]  }
0x50: {  	v12 =	vld [tilespmem:s12+$0x1080]  }
0x51: {  	v14 =	vld [tilespmem:s11+$0x7800]  }
0x52: {  	s14 =	sshll.u32 s7, $0x2;
	v17 =	vld [tilespmem:s12+$0x1180]  }
0x53: {  	s15 =	sor.u32 $0x1, s14;
	v22 =	vld [tilespmem:s12+$0x1000]  }
0x54: {  	s9 =	sshll.u32 s15, $0x7;
	v23 =	vld [tilespmem:s12+$0x1100]  }
0x55: {  	v6 =	vld [tilespmem:s9+$0x5800]  }
0x56: {  	s16 =	sor.u32 $0x2, s14;
	v5 =	vld [tilespmem:s9+$0x7800]  }
0x57: {  	s10 =	sshll.u32 s16, $0x7;
	v10 =	vld [tilespmem:s9+$0x8800]  }
0x58: {  	v16 =	vld [tilespmem:s10+$0x8800]  }
0x59: {  	v9 =	vld [tilespmem:s10+$0x5800]  }
0x5a: {  	v8 =	vld [tilespmem:s10+$0x7800]  }
0x5b: {  	v11 =	vld [tilespmem:s9+$0x4800];
	v25 =	vadd.f32 v21, v7  }
0x5c: {  	v13 =	vld [tilespmem:s9+$0x6800];
	v19 =	vmax.f32 v12, v18;
	v20 =	vmax.f32 v12, v4;
	v31 =	vmin.f32 v17, v14  }
0x5d: {  	v15 =	vld [tilespmem:s10+$0x6800];
	v32 =	vmin.f32 v17, v3;
	v33 =	vmax.f32 v22, v1;
	v24 =	vadd.f32 v21, v16  }
0x5e: {  	v26 =	vadd.f32 v21, v10;
	v27 =	vmax.f32 v12, v6;
	v28 =	vmax.f32 v12, v9  }
0x5f: {  	v12 =	vld [tilespmem:s10+$0x4800];
	v29 =	vmin.f32 v17, v5;
	v30 =	vmin.f32 v17, v8;
	v20 =	vsub.f32 v32, v20  }
0x60: {  	v17 =	vld [tilespmem:s11+$0x4800];
	v28 =	vsub.f32 v30, v28;
	v30 =	vsub.f32 v31, v19;
	v31 =	vmin.f32 v23, v2  }
0x61: {  	v27 =	vsub.f32 v29, v27;
	v19 =	vld [tilespmem:s11+$0x6800];
	v29 =	vsub.f32 v31, v33  }
0x62: {  	v60 =	vmax.f32 v22, v11;
	v62 =	vmin.f32 v23, v15;
	v31 =	vmin.f32 v23, v13  }
0x63: {  	v61 =	vmax.f32 v20, $0.0e+00;
	v31 =	vsub.f32 v31, v60;
	v29 =	vmax.f32 v29, $0.0e+00  }
0x64: {  	v20 =	vld [tilespmem:s11+$0x8800];
	v27 =	vmax.f32 v27, $0.0e+00;
	v29 =	vmul.f32 v61, v29;
	v63 =	vmax.f32 v22, v12  }
0x65: {  	v31 =	vmax.f32 v31, $0.0e+00;
	v22 =	vmax.f32 v22, v17;
	v32 =	vsub.f32 v62, v63  }
0x66: {  	v27 =	vmul.f32 v27, v31;
	v23 =	vmin.f32 v23, v19;
	v25 =	vsub.f32 v25, v29  }
0x67: {  	v28 =	vmax.f32 v28, $0.0e+00;
	v22 =	vsub.f32 v23, v22;
	v31 =	vmax.f32 v32, $0.0e+00  }
0x68: {  	v23 =	vsub.f32 v26, v27;
	v26 =	vmul.f32 v28, v31;
	(erf) = vrcp.f32 v25  }
0x69: {  	v21 =	vadd.f32 v21, v20;
	v22 =	vmax.f32 v22, $0.0e+00;
	v25 =	vmax.f32 v30, $0.0e+00  }
0x6a: {  	v22 =	vmul.f32 v25, v22;
	(erf) = vrcp.f32 v23;
	v24 =	vsub.f32 v24, v26;
	_ =	sdelay $0x1  }
0x6b: {  	v21 =	vsub.f32 v21, v22;
	(erf) = vrcp.f32 v24;
	_ =	sdelay $0x1  }
0x6c: {  	s12 =	simm.s32 $0xB800;
	(erf) = vrcp.f32 v21  }
0x6d: {  	v21 =	vld [tilespmem:s12+$0x0];
	_ =	sdelay $0x1  }
0x6e: {  	v23 =	vpop (erf)  }
0x6f: {  	v25 =	vmul.f32 v23, v29  }
0x70: {  	s13 =	simm.s32 $0xB500;
	v23 =	vpop (erf)  }
0x71: {  	v24 =	vld [tilespmem:s13+$0x0];
	v27 =	vmul.f32 v23, v27;
	vm0 =	vgt.f32 v25, v21  }
0x72: {  	v21 =	vsel vm0, v25, v21;
	v23 =	vpop (erf)  }
0x73: {  	vm1 =	vgt.f32 v27, v21;
	v26 =	vmul.f32 v23, v26  }
0x74: {  	v28 =	vpop (erf);
	v23 =	vsel vm1, v27, v21  }
0x75: {  	v21 =	vmov s14;
	v29 =	vmul.f32 v28, v22;
	vm2 =	vgt.f32 v26, v23  }
0x76: {  	v22 =	vmov s15;
	v28 =	vsel vm0, v21, v24;
	v30 =	vsel vm2, v26, v23  }
0x77: {  	v24 =	vmov s16;
	v28 =	vsel vm1, v22, v28;
	vm11 =	vgt.f32 v29, v30  }
0x78: {  	s14 =	simm.s32 $0x10;
	s15 =	simm.s32 $0x80;
	v23 =	vmov s17;
	v28 =	vsel vm2, v24, v28;
	v30 =	vsel vm11, v29, v30  }
0x79: {  	s29 =	sand.u32 $0x70, s14;
	s30 =	sand.u32 $0x1C00, s15;
	v28 =	vsel vm11, v23, v28;
	[tilespmem:s12+$0x0] =	vst v30  }
0x7a: {  	v34 =	vimm.f32 $-1.000000000e+00;
	s31 =	sadd.s32 $0x0, s3;
	s17 =	sor.u32 s29, s30;
	[tilespmem:s13+$0x0] =	vst v28  }
0x7b: {  	v37 =	vimm.s32 $0x0;
	v38 =	vor.u32 s31, v0;
	vm12 =	vgt.f32 v25, v34;
	v33 =	vld [tilespmem:s17+$0x1200]  }
0x7c: {  	vm13 =	vgt.f32 v27, v34;
	v32 =	vsel vm12, v38, v37;
	v36 =	vld [tilespmem:s17+$0x1080]  }
0x7d: {  	v31 =	vsel vm13, v38, v37;
	vm14 =	vgt.f32 v26, v34;
	vm15 =	vgt.f32 v29, v34  }
0x7e: {  	v30 =	vsel vm12, v25, v34;
	v25 =	vsel vm15, v38, v37;
	v28 =	vsel vm13, v27, v34;
	v35 =	vld [tilespmem:s17+$0x1180]  }
0x7f: {  	s16 =	simm.s32 $0x20;
	v27 =	vsel vm14, v26, v34;
	v26 =	vsel vm15, v29, v34;
	v29 =	vsel vm14, v38, v37;
	v34 =	vld [tilespmem:s17+$0x1000]  }
.LBB2_4:
0x80: {  	p0 =	sne.s32 s16, $0x290;
	v37 =	vld [tilespmem:s17+$0x1100];
	v38 =	vadd.f32 v33, v16  }
0x81: {  	v39 =	vadd.f32 v33, v7;
	v40 =	vadd.f32 v33, v10;
	v41 =	vmax.f32 v36, v18  }
0x82: {  	v42 =	vmax.f32 v36, v4;
	v43 =	vmax.f32 v36, v6;
	v36 =	vmax.f32 v36, v9  }
0x83: {  	v44 =	vmin.f32 v35, v5;
	v45 =	vmin.f32 v35, v8;
	v46 =	vmin.f32 v35, v14  }
0x84: {  	v35 =	vmin.f32 v35, v3;
	v36 =	vsub.f32 v45, v36;
	v41 =	vsub.f32 v46, v41  }
0x85: {  	v46 =	vmax.f32 v34, v1;
	v43 =	vsub.f32 v44, v43;
	v45 =	vmin.f32 v37, v2  }
0x86: {  	v35 =	vsub.f32 v35, v42;
	v44 =	vsub.f32 v45, v46  }
0x87: {  	v42 =	vmin.f32 v37, v13;
	v45 =	vmax.f32 v34, v11;
	v43 =	vmax.f32 v43, $0.0e+00  }
0x88: {  	v35 =	vmax.f32 v35, $0.0e+00;
	v42 =	vsub.f32 v42, v45;
	v44 =	vmax.f32 v44, $0.0e+00  }
0x89: {  	v45 =	vmax.f32 v34, v12;
	v35 =	vmul.f32 v35, v44;
	v44 =	vmin.f32 v37, v15  }
0x8a: {  	v34 =	vmax.f32 v34, v17;
	v42 =	vmax.f32 v42, $0.0e+00;
	v44 =	vsub.f32 v44, v45  }
0x8b: {  	v37 =	vmin.f32 v37, v19;
	v42 =	vmul.f32 v43, v42;
	v39 =	vsub.f32 v39, v35  }
0x8c: {  	v36 =	vmax.f32 v36, $0.0e+00;
	v34 =	vsub.f32 v37, v34;
	v43 =	vmax.f32 v44, $0.0e+00  }
0x8d: {  	v37 =	vsub.f32 v40, v42;
	v36 =	vmul.f32 v36, v43;
	(erf) = vrcp.f32 v39  }
0x8e: {  	v33 =	vadd.f32 v33, v20;
	v34 =	vmax.f32 v34, $0.0e+00;
	v39 =	vmax.f32 v41, $0.0e+00  }
0x8f: {  	v34 =	vmul.f32 v39, v34;
	v38 =	vsub.f32 v38, v36;
	(erf) = vrcp.f32 v37;
	_ =	sdelay $0x1  }
0x90: {  	v33 =	vsub.f32 v33, v34;
	(erf) = vrcp.f32 v38;
	_ =	sdelay $0x1  }
0x91: {  	s12 =	sadd.s32 $0x10, s12;
	(erf) = vrcp.f32 v33  }
0x92: {  	v33 =	vld [tilespmem:s12+$0x0];
	_ =	sdelay $0x1  }
0x93: {  	v37 =	vpop (erf)  }
0x94: {  	s17 =	sadd.s32 s14, s3;
	s14 =	smov.u32 s16;
	v40 =	vmul.f32 v37, v35  }
0x95: {  	s13 =	sadd.s32 $0x10, s13;
	v37 =	vor.u32 s17, v0;
	v38 =	vpop (erf)  }
0x96: {  	v39 =	vld [tilespmem:s13+$0x0];
	vm0 =	vgt.f32 v40, v33;
	vm1 =	vgt.f32 v40, v30;
	v38 =	vmul.f32 v38, v42  }
0x97: {  	v33 =	vsel vm0, v40, v33;
	v30 =	vsel vm1, v40, v30;
	v32 =	vsel vm1, v37, v32;
	v35 =	vpop (erf)  }
0x98: {  	vm1 =	vgt.f32 v38, v33;
	vm2 =	vgt.f32 v38, v28;
	v35 =	vmul.f32 v35, v36  }
0x99: {  	v33 =	vsel vm1, v38, v33;
	v28 =	vsel vm2, v38, v28;
	v31 =	vsel vm2, v37, v31;
	v36 =	vpop (erf)  }
0x9a: {  	vm2 =	vgt.f32 v35, v33;
	vm3 =	vgt.f32 v35, v27;
	v34 =	vmul.f32 v36, v34  }
0x9b: {  	v36 =	vsel vm0, v21, v39;
	v33 =	vsel vm2, v35, v33;
	v27 =	vsel vm3, v35, v27  }
0x9c: {  	v35 =	vsel vm1, v22, v36;
	vm0 =	vgt.f32 v34, v33;
	vm1 =	vgt.f32 v34, v26  }
0x9d: {  	s15 =	sadd.s32 $0x80, s15;
	v35 =	vsel vm2, v24, v35;
	v33 =	vsel vm0, v34, v33;
	v26 =	vsel vm1, v34, v26  }
0x9e: {  	s18 =	sand.u32 $0x1C00, s15;
	s17 =	sand.u32 $0x70, s16;
	v29 =	vsel vm3, v37, v29;
	v25 =	vsel vm1, v37, v25;
	v34 =	vsel vm0, v23, v35;
	[tilespmem:s12+$0x0] =	vst v33  }
0x9f: {  	s17 =	sor.u32 s17, s18;
	[tilespmem:s13+$0x0] =	vst v34  }
.Ltmp1:
0xa0: {  	v33 =	vld [tilespmem:s17+$0x1200];
	(pc) =	sbr.rel @p0 .LBB2_4-.Ltmp1, $3  }
0xa1: {  	v36 =	vld [tilespmem:s17+$0x1080];
	_ =	sdelay $0x1  }
0xa2: {  	v35 =	vld [tilespmem:s17+$0x1180]  }
0xa3: {  	s16 =	sadd.s32 $0x10, s16;
	v34 =	vld [tilespmem:s17+$0x1000]  }
0xa4: {  	v37 =	vld [tilespmem:s17+$0x1100];
	v16 =	vadd.f32 v33, v16  }
0xa5: {  	v7 =	vadd.f32 v33, v7;
	v10 =	vadd.f32 v33, v10;
	v18 =	vmax.f32 v36, v18  }
0xa6: {  	v4 =	vmax.f32 v36, v4;
	v6 =	vmax.f32 v36, v6;
	v9 =	vmax.f32 v36, v9  }
0xa7: {  	v5 =	vmin.f32 v35, v5;
	v8 =	vmin.f32 v35, v8;
	v14 =	vmin.f32 v35, v14  }
0xa8: {  	v3 =	vmin.f32 v35, v3;
	v8 =	vsub.f32 v8, v9;
	v43 =	vsub.f32 v14, v18  }
0xa9: {  	v1 =	vmax.f32 v34, v1;
	v5 =	vsub.f32 v5, v6;
	v2 =	vmin.f32 v37, v2  }
0xaa: {  	v1 =	vsub.f32 v2, v1;
	v2 =	vsub.f32 v3, v4  }
0xab: {  	v44 =	vmax.f32 v34, v11;
	v45 =	vmax.f32 v34, v12;
	v3 =	vmin.f32 v37, v13  }
0xac: {  	v3 =	vsub.f32 v3, v44;
	v1 =	vmax.f32 v1, $0.0e+00;
	v2 =	vmax.f32 v2, $0.0e+00  }
0xad: {  	v46 =	vmax.f32 v34, v17;
	v1 =	vmul.f32 v2, v1;
	v2 =	vmin.f32 v37, v15  }
0xae: {  	v5 =	vmax.f32 v5, $0.0e+00;
	v3 =	vmax.f32 v3, $0.0e+00;
	v2 =	vsub.f32 v2, v45  }
0xaf: {  	v48 =	vmin.f32 v37, v19;
	v3 =	vmul.f32 v5, v3;
	v47 =	vsub.f32 v7, v1  }
0xb0: {  	v49 =	vmax.f32 v8, $0.0e+00;
	v4 =	vsub.f32 v48, v46;
	v2 =	vmax.f32 v2, $0.0e+00  }
0xb1: {  	v50 =	vsub.f32 v10, v3;
	v2 =	vmul.f32 v49, v2;
	(erf) = vrcp.f32 v47  }
0xb2: {  	v52 =	vadd.f32 v33, v20;
	v51 =	vmax.f32 v43, $0.0e+00;
	v4 =	vmax.f32 v4, $0.0e+00  }
0xb3: {  	v4 =	vmul.f32 v51, v4;
	(erf) = vrcp.f32 v50;
	v53 =	vsub.f32 v16, v2;
	_ =	sdelay $0x1  }
0xb4: {  	v54 =	vsub.f32 v52, v4;
	(erf) = vrcp.f32 v53;
	_ =	sdelay $0x1  }
0xb5: {  	s12 =	sadd.s32 $0x10, s12;
	(erf) = vrcp.f32 v54  }
0xb6: {  	v55 =	vld [tilespmem:s12+$0x0];
	_ =	sdelay $0x1  }
0xb7: {  	v56 =	vpop (erf)  }
0xb8: {  	v1 =	vmul.f32 v56, v1  }
0xb9: {  	s13 =	sadd.s32 $0x10, s13;
	v57 =	vpop (erf)  }
0xba: {  	v58 =	vld [tilespmem:s13+$0x0];
	v3 =	vmul.f32 v57, v3;
	vm0 =	vgt.f32 v1, v55  }
0xbb: {  	v5 =	vsel vm0, v1, v55;
	v59 =	vpop (erf)  }
0xbc: {  	vm1 =	vgt.f32 v3, v5;
	v2 =	vmul.f32 v59, v2  }
0xbd: {  	v60 =	vpop (erf);
	v5 =	vsel vm1, v3, v5  }
0xbe: {  	v4 =	vmul.f32 v60, v4;
	vm2 =	vgt.f32 v2, v5  }
0xbf: {  	v61 =	vsel vm0, v21, v58;
	v5 =	vsel vm2, v2, v5  }
0xc0: {  	v6 =	vsel vm1, v22, v61;
	vm11 =	vgt.f32 v4, v5  }
0xc1: {  	v6 =	vsel vm2, v24, v6;
	v5 =	vsel vm11, v4, v5  }
0xc2: {  	s14 =	sadd.s32 s14, s3;
	vm12 =	vgt.f32 v1, v30;
	v6 =	vsel vm11, v23, v6;
	[tilespmem:s12+$0x0] =	vst v5  }
0xc3: {  	v62 =	vor.u32 s14, v0;
	v1 =	vsel vm12, v1, v30;
	[tilespmem:s13+$0x0] =	vst v6  }
0xc4: {  	v63 =	vsel vm12, v62, v32;
	vm13 =	vgt.f32 v3, v28;
	[tilespmem:s8+$0x3800] =	vst v1  }
0xc5: {  	s7 =	sadd.s32 $0x1, s7;
	v1 =	vsel vm13, v3, v28;
	[tilespmem:s8+$0x2800] =	vst v63  }
0xc6: {  	p0 =	sne.s32 s7, $0x8;
	vm14 =	vgt.f32 v2, v27;
	v3 =	vsel vm13, v62, v31;
	[tilespmem:s9+$0x3800] =	vst v1  }
.Ltmp2:
0xc7: {  	v1 =	vsel vm14, v2, v27;
	[tilespmem:s9+$0x2800] =	vst v3;
	(pc) =	sbr.rel @p0 .LBB2_3-.Ltmp2, $4  }
0xc8: {  	vm15 =	vgt.f32 v4, v26;
	v2 =	vsel vm14, v62, v29;
	[tilespmem:s10+$0x3800] =	vst v1  }
0xc9: {  	v1 =	vsel vm15, v4, v26;
	[tilespmem:s10+$0x2800] =	vst v2  }
0xca: {  	v2 =	vsel vm15, v62, v25;
	[tilespmem:s11+$0x3800] =	vst v1  }
0xcb: {  	[tilespmem:s11+$0x2800] =	vst v2  }
0xcc: {  	s6 =	simm.s32 $0x0  }
0xcd: {  	v2 =	vld [tilespmem:s6+$0xB800]  }
0xce: {  	v0 =	vlaneseq.u32  }
0xcf: {  	v0 =	vmul.u32 $0xFFFFFFFF, v0;
	_ =	sdelay $0x1  }
0xd0: {  	v1 =	vimm.f32 $-1.000000000e+00;
	s8 =	simm.s32 $0x40;
	s7 =	smov.u32 s3;
	v0 =	vadd.s32 $0x2997, v0  }
.LBB2_7:
0xd1: {  	s9 =	sshra.s32 s8, $0x2;
	p0 =	sne.s32 s8, $0xA40;
	s8 =	sadd.s32 $0x40, s8;
	vm0 =	vge.f32 v2, $6.999999880e-01  }
.Ltmp3:
0xd2: {  	v3 =	vmov s7;
	vm1 =	vlt.f32 v2, $3.000000120e-01;
	v2 =	vld [tilespmem:s9+$0xB800];
	v4 =	vsel vm0, $0x3F800000, v1;
	(pc) =	sbr.rel @p0 .LBB2_7-.Ltmp3, $4  }
0xd3: {  	vm0 =	vlt.u32 v3, v0;
	v3 =	vsel vm1, $0x0, v4  }
0xd4: {  	v3 =	vnsel vm0, $0xBF800000, v3  }
0xd5: {  	[tilespmem:s6+$0x9C00] =	vst v3;
	s6 =	smov.u32 s9  }
0xd6: {  	s7 =	sadd.s32 $0x10, s7  }
0xd7: {  	vm0 =	vge.f32 v2, $6.999999880e-01  }
0xd8: {  	v3 =	vmov s7;
	vm1 =	vlt.f32 v2, $3.000000120e-01;
	v1 =	vsel vm0, $0x3F800000, v1  }
0xd9: {  	vm0 =	vlt.u32 v3, v0;
	v0 =	vsel vm1, $0x0, v1  }
0xda: {  	v0 =	vnsel vm0, $0xBF800000, v0  }
0xdb: {  	s19 =	simm.s32 $0x3800;
	[tilespmem:s6+$0x9C00] =	vst v0  }
0xdc: {  	v0 =	vld [tilespmem:s19+$0x0];
	_ =	sdelay $0x4  }
0xdd: {  	(xrf0) =	vmax.scan.msk.f32 $0xffff, v0;
	_ =	sdelay $0x1  }
0xde: {  	s21 =	simm.s32 $0x3880  }
0xdf: {  	s20 =	simm.s32 $0x2800;
	v2 =	vld [tilespmem:s21+$0x0]  }
0xe0: {  	v1 =	vld [tilespmem:s20+$0x0];
	_ =	sdelay $0x1  }
0xe1: {  	v3, _, _ =	vpop (xrf0)  }
0xe2: {  	v4 =	vbroadcast v3, $0xF  }
0xe3: {  	(xrf0) =	vmax.scan.msk.f32 $0xffff, v2  }
0xe4: {  	s22 =	simm.s32 $0x3900;
	vm0 =	veq.f32 v0, v4;
	v0 =	vxor.u32 $0x80000000, v1  }
0xe5: {  	v3 =	vld [tilespmem:s22+$0x0];
	v0 =	vnsel vm0, $0xC0000000, v0  }
0xe6: {  	s23 =	simm.s32 $0x2880;
	(xrf0) =	vmin.scan.msk.u32 $0xffff, v0  }
0xe7: {  	v0 =	vld [tilespmem:s23+$0x0];
	_ =	sdelay $0x1  }
0xe8: {  	s24 =	simm.s32 $0x3980;
	v1, _, _ =	vpop (xrf0)  }
0xe9: {  	v5 =	vld [tilespmem:s24+$0x0];
	(xrf0) =	vmax.scan.msk.f32 $0xffff, v3;
	v1 =	vbroadcast v1, $0xF;
	_ =	sdelay $0x1  }
0xea: {  	s26 =	simm.s32 $0x0;
	vm0 =	veq.f32 v2, v1;
	v2 =	vxor.u32 $0x80000000, v0;
	v0 =	vlaneseq.u32;
	v6, _, _ =	vpop (xrf0)  }
0xeb: {  	s25 =	simm.s32 $0x2900;
	v2 =	vnsel vm0, $0xC0000000, v2;
	(v2sf) =	vpush v6, $0xF;
	v6 =	vmov s26  }
0xec: {  	v7 =	vld [tilespmem:s25+$0x0];
	(xrf0) =	vmin.scan.msk.u32 $0xffff, v2;
	vm0 =	veq.s32 v6, v0  }
0xed: {  	v6 =	vimm.f32 $0.0e+00;
	(xrf0) =	vmax.scan.msk.f32 $0xffff, v5;
	v8 =	vnsel vm0, $0x0, v4  }
0xee: {  	s11 =	simm.s32 $0x1;
	v2, _, _ =	vpop (xrf0);
	v8 =	vadd.f32 v8, v6  }
0xef: {  	v10 =	vmov s11;
	v2 =	vbroadcast v2, $0xF  }
0xf0: {  	s29 =	simm.s32 $0x2980;
	vm2 =	veq.s32 v10, v0  }
0xf1: {  	s28 =	simm.s32 $0x3A00;
	v10 =	vld [tilespmem:s29+$0x0];
	vm1 =	veq.f32 v3, v2;
	v3 =	vxor.u32 $0x80000000, v7;
	v7 =	vnsel vm2, $0x0, v1  }
0xf2: {  	s10 =	simm.s32 $0x2;
	v9 =	vld [tilespmem:s28+$0x0];
	v3 =	vnsel vm1, $0xC0000000, v3;
	v7 =	vadd.f32 v7, v8;
	v8, _, _ =	vpop (xrf0)  }
0xf3: {  	(xrf0) =	vmin.scan.msk.u32 $0xffff, v3;
	v3 =	vmov s10;
	v11, _, _ =	vpop (xrf0)  }
0xf4: {  	vm1 =	vmmov vm2;
	vm2 =	veq.s32 v3, v0;
	v3 =	vbroadcast v11, $0xF  }
0xf5: {  	(v2sf) =	vpush v8, $0xF;
	v12 =	vnsel vm2, $0x0, v2  }
0xf6: {  	vm3 =	vmmov vm2;
	vm2 =	veq.f32 v5, v3;
	v5 =	vxor.u32 $0x80000000, v10  }
0xf7: {  	s6 =	simm.s32 $0x3;
	(xrf0) =	vmax.scan.msk.f32 $0xffff, v9  }
0xf8: {  	v11 =	vmov s6  }
0xf9: {  	s30 =	simm.s32 $0x3A80;
	vm5 =	veq.s32 v11, v0;
	v11 =	vnsel vm2, $0xC0000000, v5;
	v5, _, _ =	vpop (xrf0)  }
0xfa: {  	s12 =	simm.s32 $0x2A00;
	s8 =	simm.s32 $0xFFFFFFF0;
	vm0 =	vmmov vm0;
	v8 =	vld [tilespmem:s30+$0x0];
	(v2sf) =	vpush v5, $0xF  }
0xfb: {  	v13 =	vmov s8;
	vm0 =	vmmov vm0;
	v10 =	vld [tilespmem:s12+$0x0]  }
0xfc: {  	vm4 =	veq.s32 v13, v0;
	vm0 =	vmmov vm0;
	vm1 =	vmmov vm1  }
0xfd: {  	vm1 =	vmmov vm1;
	v7 =	vadd.f32 v12, v7;
	vm3 =	vmmov vm3;
	s31 =	spop (v2sf);
	v5, _, _ =	vpop (xrf0);
	(xrf0) =	vmin.scan.msk.u32 $0xffff, v11  }
0xfe: {  	s9 =	simm.s32 $0x4;
	v12 =	vnsel vm5, $0x0, v3;
	vm5 =	vmmov vm5;
	vm2 =	vmmov vm0;
	s7 =	sxor.u32 $0x80000000, s31  }
0xff: {  	v7 =	vadd.f32 v12, v7;
	v12 =	vmov s9;
	v5 =	vbroadcast v5, $0xF;
	s15 =	scvt.s32.f32 s7  }
0x100: {  	s13 =	simm.s32 $0x3B00;
	vm0 =	veq.s32 v12, v0;
	v13 =	vxor.u32 $0x80000000, v10;
	(xrf0) =	vmax.scan.msk.f32 $0xffff, v8;
	v10 =	vimm.f32 $0.0e+00  }
0x101: {  	s14 =	simm.s32 $0x7;
	s8 =	simm.s32 $0x5;
	v11 =	vld [tilespmem:s13+$0x0];
	s7 =	simm.s32 $0x6;
	vm6 =	veq.f32 v9, v5;
	v9 =	vimm.f32 $0.0e+00;
	v12 =	vmov s15  }
.LBB2_9:
0x102: {  	v13 =	vnsel vm6, $0xC0000000, v13;
	v15 =	vnsel vm2, $0x0, v12;
	v12 =	vnsel vm4, $0x0, v12  }
0x103: {  	p0 =	sne.s32 s14, $0x1F;
	s12 =	sadd.s32 $0x80, s12;
	v14, _, _ =	vpop (xrf0);
	vm2 =	vmmov vm1;
	vm1 =	vmmov vm3;
	vm3 =	vmmov vm5  }
0x104: {  	v17 =	vnsel vm0, $0x0, v5;
	v16 =	vld [tilespmem:s12+$0x0];
	(xrf0) =	vmin.scan.msk.u32 $0xffff, v13;
	(v2sf) =	vpush v14, $0xF;
	v6 =	vadd.f32 v12, v6  }
.Ltmp4:
0x105: {  	v7 =	vadd.f32 v17, v7;
	v12 =	vnsel vm4, $0x0, v4;
	v10 =	vadd.f32 v15, v10;
	v4 =	vmovc v1;
	v1 =	vmovc v2;
	s15 =	spop (v2sf);
	(pc) =	sbr.rel @p0 .LBB2_9-.Ltmp4, $4  }
0x106: {  	s16 =	sadd.s32 $0xFFFFFFF0, s11;
	s11 =	smov.u32 s10;
	v2 =	vmov v3;
	v3 =	vmov v5;
	v9 =	vadd.f32 v12, v9;
	v13, _, _ =	vpop (xrf0);
	s15 =	sxor.u32 $0x80000000, s15  }
0x107: {  	s10 =	smov.u32 s6;
	s6 =	smov.u32 s9;
	v12 =	vmov s8;
	(xrf0) =	vmax.scan.msk.f32 $0xffff, v11;
	v5 =	vbroadcast v13, $0xF;
	s15 =	scvt.s32.f32 s15;
	v13 =	vmov s16  }
0x108: {  	s13 =	sadd.s32 $0x80, s13;
	vm5 =	vmmov vm0;
	s9 =	smov.u32 s8;
	s8 =	smov.u32 s7;
	vm0 =	veq.s32 v12, v0;
	vm4 =	veq.s32 v13, v0  }
0x109: {  	s7 =	smov.u32 s14;
	s14 =	sadd.s32 $0x1, s14;
	vm6 =	veq.f32 v8, v5;
	v13 =	vxor.u32 $0x80000000, v16;
	v12 =	vmov s15;
	v8 =	vmovc v11;
	v11 =	vld [tilespmem:s13+$0x0]  }
0x10a: {  	_ =	sdelay $0x1  }
0x10b: {  	v13 =	vnsel vm6, $0xC0000000, v13  }
0x10c: {  	s12 =	sadd.s32 $0x80, s12;
	(xrf0) =	vmin.scan.msk.u32 $0xffff, v13  }
0x10d: {  	v45 =	vld [tilespmem:s12+$0x0];
	(xrf0) =	vmax.scan.msk.f32 $0xffff, v11  }
0x10e: {  	v14, _, _ =	vpop (xrf0)  }
0x10f: {  	v15, _, _ =	vpop (xrf0)  }
0x110: {  	s12 =	sadd.s32 $0x80, s12;
	v15 =	vbroadcast v15, $0xF  }
0x111: {  	v16 =	vld [tilespmem:s12+$0x0]  }
0x112: {  	vm12 =	veq.f32 v8, v15;
	v8 =	vxor.u32 $0x80000000, v45;
	v46, _, _ =	vpop (xrf0)  }
0x113: {  	v8 =	vnsel vm12, $0xC0000000, v8;
	v17, _, _ =	vpop (xrf0)  }
0x114: {  	(xrf0) =	vmin.scan.msk.u32 $0xffff, v8;
	v8 =	vbroadcast v17, $0xF  }
0x115: {  	v47 =	vnsel vm2, $0x0, v12;
	(v2sf) =	vpush v14, $0xF  }
0x116: {  	v48 =	vnsel vm4, $0x0, v12;
	v49 =	vxor.u32 $0x80000000, v16;
	vm13 =	veq.f32 v11, v8  }
0x117: {  	vm1 =	vmmov vm1;
	vm3 =	vmmov vm3;
	v11 =	vnsel vm13, $0xC0000000, v49  }
0x118: {  	vm14 =	vmmov vm5;
	v50 =	vnsel vm0, $0x0, v5;
	s17 =	spop (v2sf);
	(v2sf) =	vpush v46, $0xF;
	(xrf0) =	vmin.scan.msk.u32 $0xffff, v11  }
0x119: {  	v4 =	vnsel vm4, $0x0, v4;
	v51 =	vmov s8;
	vm9 =	vmmov vm0  }
0x11a: {  	s11 =	sadd.s32 $0xFFFFFFF0, s11;
	v59 =	vmov s7;
	v6 =	vadd.f32 v48, v6;
	v7 =	vadd.f32 v50, v7  }
0x11b: {  	v10 =	vadd.f32 v47, v10;
	v4 =	vadd.f32 v4, v9;
	v53 =	vmov s11;
	v52, _, _ =	vpop (xrf0)  }
0x11c: {  	vm15 =	veq.s32 v51, v0;
	vm10 =	vmmov vm3;
	(v2sf) =	vpush v52, $0xF  }
0x11d: {  	s25 =	sadd.s32 $0xFFFFFFF0, s7;
	vm2 =	vmmov vm14;
	vm0 =	vmmov vm9;
	vm11 =	veq.s32 v59, v0  }
0x11e: {  	v63 =	vmov s25;
	s12 =	sxor.u32 $0x80000000, s17;
	vm8 =	veq.s32 v53, v0;
	vm4 =	vmmov vm15;
	v57, _, _ =	vpop (xrf0)  }
0x11f: {  	vm0 =	vmmov vm0;
	vm3 =	vmmov vm11;
	s12 =	scvt.s32.f32 s12;
	s18 =	spop (v2sf);
	(v2sf) =	vpush v57, $0xF  }
0x120: {  	v1 =	vnsel vm8, $0x0, v1;
	vm14 =	vmmov vm4;
	vm0 =	vmmov vm0  }
0x121: {  	s10 =	sadd.s32 $0xFFFFFFF0, s10;
	vm9 =	vmmov vm3;
	v1 =	vadd.f32 v1, v4;
	v54 =	vmov s12  }
0x122: {  	v4 =	vmov s10;
	v55 =	vnsel vm1, $0x0, v54;
	v9 =	vnsel vm8, $0x0, v54;
	s11 =	sxor.u32 $0x80000000, s18  }
0x123: {  	v56 =	vnsel vm15, $0x0, v15;
	v6 =	vadd.f32 v9, v6;
	vm12 =	veq.s32 v4, v0;
	s11 =	scvt.s32.f32 s11  }
0x124: {  	s6 =	sadd.s32 $0xFFFFFFF0, s6;
	v7 =	vadd.f32 v56, v7;
	v58 =	vadd.f32 v55, v10;
	v2 =	vnsel vm12, $0x0, v2;
	s19 =	spop (v2sf)  }
0x125: {  	v1 =	vadd.f32 v2, v1;
	v2 =	vmov s6;
	v4 =	vmov s11;
	s10 =	sxor.u32 $0x80000000, s19  }
0x126: {  	vm15 =	veq.s32 v2, v0;
	v60 =	vnsel vm10, $0x0, v4;
	v4 =	vnsel vm12, $0x0, v4;
	s10 =	scvt.s32.f32 s10  }
0x127: {  	v61 =	vnsel vm11, $0x0, v8;
	vm13 =	vmmov vm2;
	v4 =	vadd.f32 v4, v6;
	s20 =	spop (v2sf)  }
0x128: {  	v6 =	vadd.f32 v61, v7;
	v7 =	vadd.f32 v60, v58;
	v2 =	vmov s10;
	s6 =	sxor.u32 $0x80000000, s20  }
0x129: {  	s9 =	sadd.s32 $0xFFFFFFF0, s9;
	v3 =	vnsel vm15, $0x0, v3;
	v62 =	vnsel vm13, $0x0, v2;
	v2 =	vnsel vm15, $0x0, v2;
	s6 =	scvt.s32.f32 s6  }
0x12a: {  	v2 =	vadd.f32 v2, v4;
	v4 =	vadd.f32 v62, v7;
	v7 =	vmov s9  }
0x12b: {  	v1 =	vadd.f32 v3, v1;
	vm10 =	veq.s32 v7, v0;
	v3 =	vmov s6;
	s21 =	spop (v2sf)  }
0x12c: {  	vm8 =	vmmov vm14;
	v7 =	vnsel vm0, $0x0, v3;
	v3 =	vnsel vm10, $0x0, v3;
	s22 =	sxor.u32 $0x80000000, s21  }
0x12d: {  	s23 =	sadd.s32 $0xFFFFFFF0, s8;
	vm11 =	vmmov vm8;
	vm12 =	vmmov vm9;
	v2 =	vadd.f32 v3, v2;
	s6 =	scvt.s32.f32 s22  }
0x12e: {  	v3 =	vnsel vm10, $0x0, v5;
	v4 =	vadd.f32 v7, v4;
	v5 =	vmov s23;
	s24 =	spop (v2sf)  }
0x12f: {  	v1 =	vadd.f32 v3, v1;
	vm13 =	veq.s32 v5, v0;
	v7 =	vmov s6;
	s6 =	sxor.u32 $0x80000000, s24  }
0x130: {  	v3 =	vnsel vm11, $0x0, v7;
	v5 =	vnsel vm13, $0x0, v7;
	v7 =	vnsel vm13, $0x0, v15;
	s6 =	scvt.s32.f32 s6  }
0x131: {  	vm14 =	vmmov vm12;
	vm15 =	veq.s32 v63, v0;
	v1 =	vadd.f32 v7, v1  }
0x132: {  	v0 =	vadd.f32 v3, v4;
	v4 =	vnsel vm15, $0x0, v8;
	v3 =	vmov s6  }
0x133: {  	v2 =	vadd.f32 v5, v2;
	v1 =	vadd.f32 v4, v1;
	v5 =	vnsel vm14, $0x0, v3  }
0x134: {  	[tilespmem:$0x9F80] =	vst v6;
	v3 =	vnsel vm15, $0x0, v3;
	v0 =	vadd.f32 v5, v0  }
0x135: {  	[tilespmem:$0x9F90] =	vst v1;
	v2 =	vadd.f32 v3, v2  }
0x136: {  	s6 =	sshll.u32 s1, $0x7;
	[tilespmem:$0x9FA0] =	vst v0  }
0x137: {  	s28 =	simm.s32 $0x9F80;
	s29 =	simm.s32 $0x1;
	s26 =	sadd.s32 s6, s5;
	[tilespmem:$0x9FB0] =	vst v2  }
0x138: {  	[spmem:s26] =	stream.linear.scatter [tilespmem:s28], [sflag:$0x1], $0x80, $0x38;
	[tilespmem:$0xC760] =	vst v63  }
0x139: {  	_ =	swait.ge [sflag:s29], $0x80  }
0x13a: {  	[sflag:s29] =	ssyncset.done $0x0  }
0x13b: {  	[sflag:s29] =	ssyncadd.s32 $0xFFFFFF80  }
0x13c: {  	s30 =	simm.s32 $0x800;
	[bflag:$0x0] =	sbarrier.arrive $0xFFFF  }
0x13d: {  	[tilespmem:s30], [sflag:$0x1] =	stream.linear.gather [spmem:s5], $0x800, $0x38;
	[tilespmem:$0xC760] =	vst v63  }
0x13e: {  	_ =	swait.ge [sflag:s29], $0x800  }
0x13f: {  	[sflag:s29] =	ssyncset.done $0x0  }
0x140: {  	s31 =	simm.s32 $0x0;
	[sflag:s29] =	ssyncadd.s32 $0xFFFFF800  }
0x141: {  	v4 =	vld [tilespmem:s31+$0x800]  }
0x142: {  	v0 =	vld [tilespmem:s31+$0x810]  }
0x143: {  	v6 =	vimm.f32 $0.0e+00;
	v7 =	vld [tilespmem:s31+$0x820]  }
0x144: {  	v1 =	vimm.f32 $-2.000000000e+00;
	v5 =	vimm.f32 $-2.000000000e+00;
	v3 =	vimm.f32 $0.0e+00;
	s5 =	simm.s32 $0x200;
	v2 =	vld [tilespmem:s31+$0x830]  }
.LBB2_11:
0x145: {  	p0 =	sne.s32 s5, $0x1E00  }
.Ltmp5:
0x146: {  	s7 =	sshra.s32 s5, $0x2;
	v8 =	vmov v4;
	(pc) =	sbr.rel @p0 .LBB2_11-.Ltmp5, $4  }
0x147: {  	s5 =	sadd.s32 $0x200, s5;
	v4 =	vld [tilespmem:s7+$0x800];
	vm0 =	vgt.f32 v8, v5;
	vm1 =	vgt.f32 v0, v1  }
0x148: {  	v5 =	vsel vm0, v8, v5;
	v1 =	vsel vm1, v0, v1;
	v0 =	vld [tilespmem:s7+$0x810];
	v6 =	vsel vm0, v7, v6  }
0x149: {  	v7 =	vld [tilespmem:s7+$0x820];
	v3 =	vsel vm1, v2, v3  }
0x14a: {  	v2 =	vld [tilespmem:s7+$0x830]  }
0x14b: {  	_ =	sdelay $0x1  }
0x14c: {  	vm0 =	vgt.f32 v4, v5  }
0x14d: {  	v4 =	vsel vm0, v7, v6  }
0x14e: {  	v4 =	vtrunc.f32 v4  }
0x14f: {  	v4 =	vcvt.f32.s32 v4  }
0x150: {  	v5 =	vmov s3  }
0x151: {  	v4 =	vsub.s32 v4, v5  }
0x152: {  	vm12 =	vlt.u32 v4, $0x2A0  }
0x153: {  	v4 =	vnsel vm12, $0x0, v4;
	_ =	sdelay $0x3  }
0x154: {  	s5 =	simm.s32 $0xB800  }
0x155: {  	v63 =	vld.idx.msk [tilespmem:v4+s5+$0x0], vm12  }
0x156: {  	vm1 =	vgt.f32 v0, v1  }
0x157: {  	v0 =	vsel vm1, v2, v3  }
0x158: {  	v0 =	vtrunc.f32 v0  }
0x159: {  	v0 =	vcvt.f32.s32 v0  }
0x15a: {  	vm13 =	vge.f32 v63, $3.000000120e-01  }
0x15b: {  	v0 =	vsub.s32 v0, v5;
	vm0 =	vmand vm12, vm13  }
0x15c: {  	vm14 =	vlt.u32 v0, $0x2A0  }
0x15d: {  	v0 =	vnsel vm14, $0x0, v0;
	_ =	sdelay $0x2  }
0x15e: {  	s7 =	simm.s32 $0x9C00;
	v1 =	vimm.f32 $1.000000000e+00  }
0x15f: {  	[tilespmem:v4+s7+$0x0] =	vst.idx.msk vm0, v1  }
0x160: {  	v2 =	vld.idx.msk [tilespmem:v0+s5+$0x0], vm14;
	_ =	sdelay $0x4  }
0x161: {  	vm15 =	vge.f32 v2, $3.000000120e-01  }
0x162: {  	vm0 =	vmand vm14, vm15;
	_ =	sdelay $0x5  }
0x163: {  	s31 =	simm.s32 $0x0;
	[tilespmem:v0+s7+$0x0] =	vst.idx.msk vm0, v1  }
0x164: {  	v3 =	vld [tilespmem:s31+$0x9C00]  }
0x165: {  	s5 =	simm.s32 $0x40;
	v2 =	vimm.s32 $0x0;
	v0 =	vimm.s32 $0x0;
	v1 =	vimm.s32 $0x0  }
.LBB2_13:
0x166: {  	p0 =	sne.s32 s5, $0xA40  }
.Ltmp6:
0x167: {  	_ = 	snop;
	(pc) =	sbr.rel @p0 .LBB2_13-.Ltmp6, $4  }
0x168: {  	_ = 	snop  }
0x169: {  	s7 =	sshra.s32 s5, $0x2;
	s5 =	sadd.s32 $0x40, s5;
	vm0 =	veq.f32 v3, $1.000000000e+00;
	vm1 =	veq.f32 v3, $0.0e+00  }
0x16a: {  	v3 =	vld [tilespmem:s7+$0x9C00];
	v4 =	vsel vm0, $0x1, v0;
	v5 =	vsel vm1, $0x1, v0  }
0x16b: {  	v1 =	vadd.s32 v4, v1;
	v2 =	vadd.s32 v5, v2  }
0x16c: {  	_ =	sdelay $0x2  }
0x16d: {  	vm0 =	veq.f32 v3, $1.000000000e+00  }
0x16e: {  	vm1 =	veq.f32 v3, $0.0e+00;
	v3 =	vsel vm0, $0x1, v0  }
0x16f: {  	v0 =	vsel vm1, $0x1, v0;
	v1 =	vadd.s32 v3, v1  }
0x170: {  	v0 =	vadd.s32 v0, v2;
	(xrf0) =	vadd.scan.msk.s32 $0xffff, v1  }
0x171: {  	(xrf0) =	vadd.scan.msk.s32 $0xffff, v0;
	_ =	sdelay $0x4  }
0x172: {  	v0, _, _ =	vpop (xrf0)  }
0x173: {  	(v2sf) =	vpush v0, $0xF;
	v0, _, _ =	vpop (xrf0)  }
0x174: {  	(v2sf) =	vpush v0, $0xF;
	_ =	sdelay $0xd  }
0x175: {  	s5 =	spop (v2sf)  }
0x176: {  	s5 =	sshll.u32 s5, $0x10;
	s7 =	spop (v2sf)  }
0x177: {  	s5 =	sor.u32 s7, s5  }
0x178: {  	vm15 =	vcmask $0x300;
	v0 =	vmov s5  }
0x179: {  	v0 =	vnsel vm15, $0x0, v0  }
0x17a: {  	s29 =	sadd.s32 s6, s4;
	s30 =	simm.s32 $0x9F00;
	s5 =	simm.s32 $0x1;
	[tilespmem:$0x9F00] =	vst v0  }
0x17b: {  	[spmem:s29] =	stream.linear.scatter [tilespmem:s30], [sflag:$0x1], $0x80, $0x38;
	[tilespmem:$0xC760] =	vst v63  }
0x17c: {  	_ =	swait.ge [sflag:s5], $0x80  }
0x17d: {  	[sflag:s5] =	ssyncset.done $0x0  }
0x17e: {  	[sflag:s5] =	ssyncadd.s32 $0xFFFFFF80  }
0x17f: {  	s31 =	simm.s32 $0x0;
	[bflag:$0x0] =	sbarrier.arrive $0xFFFF  }
0x180: {  	[tilespmem:s31], [sflag:$0x1] =	stream.linear.gather [spmem:s4], $0x800, $0x38;
	[tilespmem:$0xC760] =	vst v63  }
0x181: {  	_ =	swait.ge [sflag:s5], $0x800  }
0x182: {  	[sflag:s5] =	ssyncset.done $0x0  }
0x183: {  	[sflag:s5] =	ssyncadd.s32 $0xFFFFF800  }
0x184: {  	v2 =	vld [tilespmem:s31+$0x0];
	_ =	sdelay $0x2  }
0x185: {  	p0 =	sgt.u32 s1, $0x0  }
0x186: {  	v0 =	vimm.s32 $0x0;
	s5 =	simm.s32 @!p0 $0x0  }
0x187: {  	s4 =	simm.s32 $0x1;
	v1 =	vadd.s32 v0, v2;
	v2 =	vmul.u32 s5, v2;
	s5 =	simm.s32 $0x80  }
.LBB2_15:
0x188: {  	v3 =	vld [tilespmem:s5+$0x0];
	p0 =	sne.s32 s4, $0xF;
	s6 =	smov.u32 s4;
	s4 =	sadd.s32 $0x1, s4  }
.Ltmp7:
0x189: {  	v0 =	vadd.s32 v0, v2;
	(pc) =	sbr.rel @p0 .LBB2_15-.Ltmp7, $4  }
0x18a: {  	_ = 	snop  }
0x18b: {  	p1 =	slt.u32 s6, s1;
	s6 =	simm.s32 $0x1  }
0x18c: {  	s6 =	simm.s32 @!p1 $0x0  }
0x18d: {  	s5 =	sadd.s32 $0x80, s5;
	v1 =	vadd.s32 v1, v3;
	v2 =	vmul.u32 s6, v3  }
0x18e: {  	vm0 =	vmmov $0x1  }
0x18f: {  	v1 =	vnsel vm0, $0x0, v1  }
0x190: {  	(xrf0) =	vadd.scan.msk.s32 $0xffff, v1;
	_ =	sdelay $0x3  }
0x191: {  	v0 =	vadd.s32 v0, v2  }
0x192: {  	v0 =	vnsel vm0, $0x0, v0  }
0x193: {  	v1, _, _ =	vpop (xrf0);
	(xrf0) =	vadd.scan.msk.s32 $0xffff, v0  }
0x194: {  	(v2sf) =	vpush v1, $0xF;
	_ =	sdelay $0x1  }
0x195: {  	s4 =	simm.s32 $0x9C00  }
0x196: {  	v1 =	vld [tilespmem:s4+$0x0];
	_ =	sdelay $0x1  }
0x197: {  	v0, _, _ =	vpop (xrf0)  }
0x198: {  	(v2sf) =	vpush v0, $0xF;
	_ =	sdelay $0x1  }
0x199: {  	vm1 =	veq.f32 v1, $1.000000000e+00;
	v0 =	vimm.f32 $0.0e+00  }
0x19a: {  	v2 =	vsel vm1, $0x3F800000, v0  }
0x19b: {  	(xrf2) =	vadd.scan.msk.f32 $0xffff, v2  }
0x19c: {  	vm14 =	veq.f32 v1, $0.0e+00  }
0x19d: {  	v3 =	vsel vm14, $0x3F800000, v0  }
0x19e: {  	(xrf2) =	vadd.scan.msk.f32 $0xffff, v3;
	_ =	sdelay $0x1  }
0x19f: {  	s6 =	spop (v2sf)  }
0x1a0: {  	s5 =	simm.s32 $0xB500;
	s7 =	sshra.s32 s6, $0x10  }
0x1a1: {  	v4 =	vld [tilespmem:s5+$0x0];
	s8 =	sadd.s32 $0xFFFFFF80, s7  }
0x1a2: {  	s9 =	scvt.s32.f32 s8  }
0x1a3: {  	s7 =	scvt.s32.f32 s7  }
0x1a4: {  	s30 =	simm.s32 $0x0;
	v7, _, _ =	vpop (xrf2);
	s8 =	smax.f32 s9, $0.0e+00  }
0x1a5: {  	v9 =	vmov s30;
	s6 =	sand.u32 $0xFFFF, s6;
	s10 =	spop (v2sf);
	s7 =	ssub.f32 s8, s7;
	(v2sf) =	vpush v7, $0xF  }
0x1a6: {  	v9 =	vshll.u32 v9, $0x3;
	v5 =	vadd.s32 $0x180, v4;
	v1 =	vlaneseq.u32;
	s11 =	scvt.s32.f32 s6;
	s29 =	sshra.s32 s10, $0x10  }
0x1a7: {  	v6 =	vadd.s32 $0x80, v4;
	v1 =	vmul.u32 $0x8, v1;
	v2 =	vsub.f32 v7, v2;
	v10, _, _ =	vpop (xrf2);
	s10 =	sand.u32 $0xFFFF, s10;
	s6 =	scvt.s32.f32 s29;
	s12 =	sadd.f32 $2.560000000e+02, s7  }
0x1a8: {  	v8 =	vadd.s32 $0x100, v4;
	v3 =	vsub.f32 v10, v3;
	(v2sf) =	vpush v10, $0xF;
	s7 =	scvt.s32.f32 s10  }
0x1a9: {  	v11 =	vadd.s32 $0x200, v4;
	v14 =	vor.u32 v1, v9;
	s8 =	simm.s32 $0x9800;
	s31 =	ssub.f32 s11, s12;
	v12 =	vadd.f32 s6, v2  }
0x1aa: {  	v15 =	vor.u32 $0x1, v14;
	v13 =	vld.idx.msk [tilespmem:v4+s8+$0x0], $0xffff;
	v2 =	vmov s9;
	v9 =	vadd.f32 s7, v3  }
0x1ab: {  	v16 =	vor.u32 $0x2, v14;
	v4 =	vld.idx.msk [tilespmem:v5+s8+$0x0], $0xffff;
	v3 =	vmov s31;
	vm2 =	vge.f32 v12, v2  }
0x1ac: {  	v17 =	vor.u32 $0x3, v14;
	v63 =	vld.idx.msk [tilespmem:v6+s8+$0x0], $0xffff;
	vm1 =	vmand vm1, vm2;
	vm15 =	vge.f32 v9, v3  }
0x1ad: {  	v7 =	vor.u32 $0x4, v14;
	v6 =	vld.idx.msk [tilespmem:v8+s8+$0x0], $0xffff;
	s9 =	simm.s32 $0xA000;
	vm0 =	vmand vm14, vm15;
	v8 =	vsel vm1, $0x3F800000, v0  }
0x1ae: {  	v5 =	vld.idx.msk [tilespmem:v11+s8+$0x0], $0xffff;
	v10 =	vor.u32 $0x5, v14;
	[tilespmem:v14+s9+$0x0] =	vst.idx.msk $0xffff, v8;
	v8 =	vsel vm0, $0x3F800000, v0  }
0x1af: {  	v9 =	vor.u32 $0x6, v14;
	[tilespmem:v15+s9+$0x0] =	vst.idx.msk $0xffff, v8  }
0x1b0: {  	v8 =	vor.u32 $0x7, v14;
	[tilespmem:v16+s9+$0x0] =	vst.idx.msk $0xffff, v13  }
0x1b1: {  	s10 =	simm.s32 $0x10;
	[tilespmem:v17+s9+$0x0] =	vst.idx.msk $0xffff, v63  }
.LBB2_17:
0x1b2: {  	p0 =	sne.s32 s10, $0x290;
	[tilespmem:v7+s9+$0x0] =	vst.idx.msk $0xffff, v6;
	s4 =	sadd.s32 $0x10, s4;
	s5 =	sadd.s32 $0x10, s5  }
0x1b3: {  	s11 =	smov.u32 s10;
	s10 =	sadd.s32 $0x10, s10;
	[tilespmem:v10+s9+$0x0] =	vst.idx.msk $0xffff, v4  }
0x1b4: {  	[tilespmem:v9+s9+$0x0] =	vst.idx.msk $0xffff, v5;
	s12 =	spop (v2sf)  }
0x1b5: {  	[tilespmem:v8+s9+$0x0] =	vst.idx.msk $0xffff, v0;
	s6 =	sadd.f32 s12, s6  }
0x1b6: {  	v4 =	vld [tilespmem:s4+$0x0]  }
0x1b7: {  	s12 =	spop (v2sf)  }
0x1b8: {  	s7 =	sadd.f32 s12, s7;
	_ =	sdelay $0x2  }
0x1b9: {  	vm1 =	veq.f32 v4, $1.000000000e+00;
	vm0 =	veq.f32 v4, $0.0e+00  }
0x1ba: {  	v4 =	vsel vm1, $0x3F800000, v0;
	v5 =	vsel vm0, $0x3F800000, v0  }
0x1bb: {  	(xrf2) =	vadd.scan.msk.f32 $0xffff, v4;
	_ =	sdelay $0x2  }
0x1bc: {  	(xrf2) =	vadd.scan.msk.f32 $0xffff, v5  }
0x1bd: {  	v6 =	vld [tilespmem:s5+$0x0];
	_ =	sdelay $0x4  }
0x1be: {  	v7 =	vadd.s32 $0x80, v6;
	v8 =	vadd.s32 $0x100, v6;
	v9 =	vadd.s32 $0x180, v6  }
0x1bf: {  	v10 =	vadd.s32 $0x200, v6;
	v11, _, _ =	vpop (xrf2)  }
0x1c0: {  	v4 =	vsub.f32 v11, v4;
	(v2sf) =	vpush v11, $0xF;
	_ =	sdelay $0x1  }
0x1c1: {  	v4 =	vadd.f32 s6, v4;
	v11 =	vld.idx.msk [tilespmem:v6+s8+$0x0], $0xffff;
	v6 =	vmov s11;
	v12, _, _ =	vpop (xrf2)  }
0x1c2: {  	v5 =	vsub.f32 v12, v5;
	v6 =	vshll.u32 v6, $0x3;
	(v2sf) =	vpush v12, $0xF  }
0x1c3: {  	vm2 =	vge.f32 v4, v2;
	v12 =	vor.u32 v1, v6  }
0x1c4: {  	v5 =	vadd.f32 s7, v5;
	vm1 =	vmand vm1, vm2;
	v4 =	vld.idx.msk [tilespmem:v9+s8+$0x0], $0xffff;
	v9 =	vor.u32 $0x1, v12  }
0x1c5: {  	v15 =	vor.u32 $0x2, v12;
	v13 =	vsel vm1, $0x3F800000, v0;
	v14 =	vld.idx.msk [tilespmem:v7+s8+$0x0], $0xffff  }
0x1c6: {  	v16 =	vor.u32 $0x3, v12;
	vm1 =	vge.f32 v5, v3;
	v6 =	vld.idx.msk [tilespmem:v8+s8+$0x0], $0xffff  }
.Ltmp8:
0x1c7: {  	v7 =	vor.u32 $0x4, v12;
	vm0 =	vmand vm0, vm1;
	v5 =	vld.idx.msk [tilespmem:v10+s8+$0x0], $0xffff;
	(pc) =	sbr.rel @p0 .LBB2_17-.Ltmp8, $4  }
0x1c8: {  	v10 =	vor.u32 $0x5, v12;
	v8 =	vsel vm0, $0x3F800000, v0;
	[tilespmem:v12+s9+$0x0] =	vst.idx.msk $0xffff, v13  }
0x1c9: {  	[tilespmem:v9+s9+$0x0] =	vst.idx.msk $0xffff, v8;
	v9 =	vor.u32 $0x6, v12  }
0x1ca: {  	v8 =	vor.u32 $0x7, v12;
	[tilespmem:v15+s9+$0x0] =	vst.idx.msk $0xffff, v11  }
0x1cb: {  	[tilespmem:v16+s9+$0x0] =	vst.idx.msk $0xffff, v14  }
0x1cc: {  	_ =	sdelay $0x3  }
0x1cd: {  	[tilespmem:v7+s9+$0x0] =	vst.idx.msk $0xffff, v6  }
0x1ce: {  	[tilespmem:v10+s9+$0x0] =	vst.idx.msk $0xffff, v4  }
0x1cf: {  	[tilespmem:v9+s9+$0x0] =	vst.idx.msk $0xffff, v5;
	s4 =	spop (v2sf)  }
0x1d0: {  	s2 =	sadd.s32 s2, s3;
	s30 =	simm.s32 $0x0;
	[tilespmem:v8+s9+$0x0] =	vst.idx.msk $0xffff, v0;
	s4 =	simm.s32 $0xA000  }
0x1d1: {  	[hbm4b:s2+s30] =	stream.linear.scatter [tilespmem:s4], [sflag:$0x1], $0x1500, $0x38;
	[tilespmem:$0xC760] =	vst v63  }
0x1d2: {  	s2 =	simm.s32 $0x1;
	s31 =	spop (v2sf)  }
0x1d3: {  	_ =	swait.ge [sflag:s2], $0x1500  }
0x1d4: {  	[sflag:s2] =	ssyncset.done $0x0  }
0x1d5: {  	[sflag:s2] =	ssyncadd.s32 $0xFFFFEB00  }
0x1d6: {  	_ =	sfence.sel $0x180000  }
0x1d7: {  	[bflag:$0x0] =	sbarrier.arrive $0xFFFF  }
0x1d8: {  	p0 =	sne.s32 s1, $0x0;
	_ =	strace $0x90000047  }
0x1d9: {  	s0 =	sadd.s32 @!p0 $0x100000, s0;
	[bflag:$0x2] =	sbarrier.arrive $0xFFFF  }
0x1da: {  	[sflag:s0] =	ssyncadd.tile.s32 @!p0 $0x1;
	_ =	shalt  }
.Lfunc_end2:
_tile_overlayer_lowered:
.L_overlay_start_2:
0x1db: {  	(tag) =	ssettag $0x2  }
0x1dc: {  	s0 =	rddreg [dreg:$0x0];
	s2 =	stileid.u32  }
0x1dd: {  	s1 =	rddreg [dreg:$0x1];
	p0 =	sne.s32 s2, $0x0  }
0x1de: {  	s3 =	rddreg [dreg:$0x2];
	[bflag:$0x3] =	sbarrier.arrive $0xFFFF;
	s2 =	simm.s32 @!p0 $0x1C01  }
0x1df: {  	[timem:s3], [sflag:s2] =	dma.local @!p0 [hbm:s0], s1  }
0x1e0: {  	s0 =	simm.s32 @!p0 $0x1  }
0x1e1: {  	_ =	swait.ge @!p0 [sflag:s0], s1  }
0x1e2: {  	s1 =	ssub.s32 @!p0 $0x0, s1;
	[sflag:s0] =	ssyncset.done @!p0 $0x0  }
0x1e3: {  	[sflag:s0] =	ssyncadd.s32 @!p0 s1  }
0x1e4: {  	[bflag:$0x3] =	sbarrier.arrive $0xFFFF  }
0x1e5: {  	_ =	shalt  }

</sc_bundles>
